<compile_context>
chip_gen: v7x
topology: tpu7x:2x2x1
jax: 0.10.2.dev20260603
libtpu: 0.0.44.dev20260713+nightly
codegen_flags: <defaults>
</compile_context>

<pallas_src>
import functools

import jax
import jax.numpy as jnp
from jax import lax
from jax.experimental import pallas as pl
from jax.experimental.pallas import tpu as pltpu
from jax.experimental.pallas import tpu_sc as plsc

D = 128
NB = 4096
S = 50
B = NB * S
NC, NS = 2, 16
NW = NC * NS
BPW = B // NW
CH = 128
NCHUNK = BPW // CH
NBUF = 5
OUTER = NCHUNK // NBUF

_mesh = plsc.VectorSubcoreMesh(core_axis_name="c", subcore_axis_name="s")


@functools.partial(
    pl.kernel,
    mesh=_mesh,
    out_type=jax.ShapeDtypeStruct((B, D), jnp.float32),
    scratch_types=(
        [pltpu.VMEM((BPW,), jnp.int32),
         pltpu.VMEM((NCHUNK, CH), jnp.int32)]
        + [pltpu.VMEM((CH, D), jnp.float32)] * NBUF
        + [pltpu.SemaphoreType.DMA] * (2 * NBUF)
    ),
)
def _concept_sc(cidx_hbm, ctab_hbm, out_hbm, idx_v, dst_v, *bufs_and_sems):
    rows = bufs_and_sems[:NBUF]
    gsem = bufs_and_sems[NBUF:2 * NBUF]
    ssem = bufs_and_sems[2 * NBUF:]

    wid = lax.axis_index("s") * NC + lax.axis_index("c")
    base = wid * BPW
    bq = wid * (BPW // S)

    pltpu.sync_copy(cidx_hbm.at[pl.ds(base, BPW)], idx_v)

    lanes = lax.iota(jnp.int32, 16)

    def dst_body(i, carry):
        q0, m0 = carry
        for g in range(CH // 16):
            r = m0 + lanes
            w = jnp.where(r >= S, 1, 0)
            dst = (r - S * w) * NB + (bq + q0 + w)
            dst_v[i, pl.ds(16 * g, 16)] = dst
            m1 = m0 + 16
            wrap = jnp.where(m1 >= S, 1, 0)
            q0 = q0 + wrap
            m0 = m1 - S * wrap
        return q0, m0

    lax.fori_loop(0, NCHUNK, dst_body, (jnp.int32(0), jnp.int32(0)))

    for b in range(NBUF):
        pltpu.async_copy(ctab_hbm.at[idx_v.at[pl.ds(b * CH, CH)]],
                         rows[b], gsem[b])

    def outer(k, carry):
        for b in range(NBUF):
            i = k * NBUF + b
            pltpu.make_async_copy(ctab_hbm.at[pl.ds(0, CH)],
                                  rows[b], gsem[b]).wait()
            pltpu.async_copy(rows[b], out_hbm.at[dst_v.at[i]], ssem[b])
            pltpu.make_async_copy(rows[b], out_hbm.at[pl.ds(0, CH)],
                                  ssem[b]).wait()
            nxt = i + NBUF

            @pl.when(nxt < NCHUNK)
            def _fire():
                pltpu.async_copy(
                    ctab_hbm.at[idx_v.at[pl.ds(nxt * CH, CH)]],
                    rows[b], gsem[b])
        return carry

    lax.fori_loop(0, OUTER, outer, 0)


def _tc_body(ridx_ref, thi_ref, tlo_ref, rout_ref, scr_ref):
    idx = ridx_ref[0]
    idxb = jnp.broadcast_to(idx, (D, NB))
    kio = lax.broadcasted_iota(jnp.int32, (D, NB), 0)
    ohT = (kio == idxb).astype(jnp.bfloat16)
    dn = (((0,), (0,)), ((), ()))
    scr_ref[...] = lax.dot_general(ohT, thi_ref[...], dn,
                                   preferred_element_type=jnp.float32)
    lo = lax.dot_general(ohT, tlo_ref[...], dn,
                         preferred_element_type=jnp.float32)
    rout_ref[...] = (scr_ref[...] + lo).reshape(1, NB, D)


_relation_tc = pl.pallas_call(
    _tc_body,
    grid=(S,),
    in_specs=[
        pl.BlockSpec((1, 1, NB), lambda i: (i, 0, 0)),
        pl.BlockSpec((D, D), lambda i: (0, 0)),
        pl.BlockSpec((D, D), lambda i: (0, 0)),
    ],
    out_specs=pl.BlockSpec((1, NB, D), lambda i: (i, 0, 0)),
    out_shape=jax.ShapeDtypeStruct((S, NB, D), jnp.float32),
    scratch_shapes=[pltpu.VMEM((NB, D), jnp.float32)],
)


def kernel(concept_inp, relation_inp, concept_table, relation_table):
    cidx = concept_inp.reshape(-1).astype(jnp.int32)
    ridxT3 = relation_inp.T.reshape(S, 1, NB).astype(jnp.int32)
    tpad = jnp.pad(relation_table, ((0, D - relation_table.shape[0]), (0, 0)))
    thi = tpad.astype(jnp.bfloat16)
    tlo = (tpad - thi.astype(jnp.float32)).astype(jnp.bfloat16)
    c_sm = _concept_sc(cidx, concept_table)
    routT = _relation_tc(ridxT3, thi, tlo)
    cout = c_sm.reshape(S, NB, D).transpose(1, 0, 2)
    rout = routT.transpose(1, 0, 2)
    return cout, rout

# --- scband reference (transcript-rebuilt; emitter-appended) ---
"""Pipeline reference for scband-concept-embedding-model-63969242906973 (READ-ONLY COPY).

The authoritative reference and input builder live on the scoring server;
editing this copy changes nothing except your own understanding.
"""

import jax, jax.numpy as jnp
import numpy as np

CONCEPT_NUM = 100000
RELATION_NUM = 100
CONCEPT_DIM = 128
RELATION_DIM = 128


def setup_inputs(seed: int = 0) -> dict:
    key = jax.random.key(seed)
    k1, k2, k3, k4 = jax.random.split(key, 4)
    concept_inp = jax.random.randint(k1, (4096, 50), 0, CONCEPT_NUM, dtype=jnp.int64 if jax.config.jax_enable_x64 else jnp.int32)
    relation_inp = jax.random.randint(k2, (4096, 50), 0, RELATION_NUM, dtype=jnp.int64 if jax.config.jax_enable_x64 else jnp.int32)
    cbias = float(np.sqrt(6.0 / CONCEPT_DIM))
    rbias = float(np.sqrt(6.0 / RELATION_DIM))
    concept_table = jax.random.uniform(k3, (CONCEPT_NUM, CONCEPT_DIM), minval=-cbias, maxval=cbias, dtype=jnp.float32)
    relation_table = jax.random.uniform(k4, (RELATION_NUM, RELATION_DIM), minval=-rbias, maxval=rbias, dtype=jnp.float32)
    return {
        "concept_inp": concept_inp,
        "relation_inp": relation_inp,
        "concept_table": concept_table,
        "relation_table": relation_table,
    }


def reference(concept_inp, relation_inp, concept_table, relation_table):
    # Faithful translation of ConceptEmbeddingModel.forward:
    # concept_output = self.concept_emb(concept_inp)
    # relation_output = self.relation_emb(relation_inp)
    concept_output = jnp.take(concept_table, concept_inp, axis=0)
    relation_output = jnp.take(relation_table, relation_inp, axis=0)
    return (concept_output, relation_output)

if __name__ == "__main__":
    import jax
    _d = setup_inputs()
    print(jax.jit(kernel)(*tuple(_d.values())))

</pallas_src>

<mosaic_0001>
#map = affine_map<(d0, d1) -> (0)>
#map1 = affine_map<(d0, d1) -> (0, 0)>
module attributes {stable_mosaic.version = 14 : i64} {
  func.func @_concept_sc(%arg0: i32, %arg1: i32, %arg2: memref<204800xi32, #tpu.memory_space<hbm>>, %arg3: memref<100000x128xf32, #tpu.memory_space<hbm>>, %arg4: memref<204800x128xf32, #tpu.memory_space<hbm>>, %arg5: memref<6400xi32, #tpu.memory_space<vmem>>, %arg6: memref<50x128xi32, #tpu.memory_space<vmem>>, %arg7: memref<128x128xf32, #tpu.memory_space<vmem>>, %arg8: memref<128x128xf32, #tpu.memory_space<vmem>>, %arg9: memref<128x128xf32, #tpu.memory_space<vmem>>, %arg10: memref<128x128xf32, #tpu.memory_space<vmem>>, %arg11: memref<128x128xf32, #tpu.memory_space<vmem>>, %arg12: memref<!tpu.dma_semaphore, #tpu.memory_space<semaphore_mem>>, %arg13: memref<!tpu.dma_semaphore, #tpu.memory_space<semaphore_mem>>, %arg14: memref<!tpu.dma_semaphore, #tpu.memory_space<semaphore_mem>>, %arg15: memref<!tpu.dma_semaphore, #tpu.memory_space<semaphore_mem>>, %arg16: memref<!tpu.dma_semaphore, #tpu.memory_space<semaphore_mem>>, %arg17: memref<!tpu.dma_semaphore, #tpu.memory_space<semaphore_mem>>, %arg18: memref<!tpu.dma_semaphore, #tpu.memory_space<semaphore_mem>>, %arg19: memref<!tpu.dma_semaphore, #tpu.memory_space<semaphore_mem>>, %arg20: memref<!tpu.dma_semaphore, #tpu.memory_space<semaphore_mem>>, %arg21: memref<!tpu.dma_semaphore, #tpu.memory_space<semaphore_mem>>) attributes {dimension_semantics = [#tpu.dimension_semantics<core_parallel>, #tpu.dimension_semantics<subcore_parallel>], iteration_bounds = array<i64: 2, 16>, scalar_prefetch = 0 : i64, scratch_operands = 17 : i64, tpu.core_type = #tpu.core_type<sc_vector_subcore>, window_params = [{transform_indices = #map}, {transform_indices = #map1}, {transform_indices = #map1}]} {
    %mul3A = arith.constant 2 : i32
    %mul3A_0 = arith.muli %arg1, %mul3A : i32
    %add3A = arith.addi %mul3A_0, %arg0 : i32
    %mul3A_1 = arith.constant 6400 : i32
    %mul3A_2 = arith.muli %add3A, %mul3A_1 : i32
    %mul3A_3 = arith.constant 128 : i32
    %mul3A_4 = arith.muli %add3A, %mul3A_3 : i32
    "tpu.region"() ({
      %run_scoped3A = tpu.sem_alloc : memref<!tpu.dma_semaphore, #tpu.memory_space<semaphore_mem>>
      %dma_start3A_42 = tpu.memref_slice %arg2[%mul3A_2] : memref<204800xi32, #tpu.memory_space<hbm>> -> memref<6400xi32, #tpu.memory_space<hbm>>
      %dma_start3A_43 = tpu.memref_slice %arg2[%mul3A_2] : memref<204800xi32, #tpu.memory_space<hbm>> -> memref<6400xi32, #tpu.memory_space<hbm>>
      tpu.enqueue_dma source(%dma_start3A_43 : memref<6400xi32, #tpu.memory_space<hbm>>) target(%arg5 : memref<6400xi32, #tpu.memory_space<vmem>>) target_semaphore(%run_scoped3A : memref<!tpu.dma_semaphore, #tpu.memory_space<semaphore_mem>>)
      %dma_wait3A = tpu.memref_slice %arg2[%mul3A_2] : memref<204800xi32, #tpu.memory_space<hbm>> -> memref<6400xi32, #tpu.memory_space<hbm>>
      %dma_wait3A_44 = tpu.memref_slice %arg2[%mul3A_2] : memref<204800xi32, #tpu.memory_space<hbm>> -> memref<6400xi32, #tpu.memory_space<hbm>>
      tpu.wait_dma2 semaphore(%run_scoped3A : memref<!tpu.dma_semaphore, #tpu.memory_space<semaphore_mem>>) src(%dma_wait3A_44 : memref<6400xi32, #tpu.memory_space<hbm>>) dst(%arg5 : memref<6400xi32, #tpu.memory_space<vmem>>)
      tpu.yield
    }) : () -> ()
    %iota3A = tpu.iota {dimensions = array<i32: 0>} : vector<16xi32>
    %scan3A = arith.constant 0 : i32
    %scan3A_5 = arith.constant 0 : i32
    %scan3A_6 = arith.constant 0 : i32
    %scan3A_7 = arith.constant 50 : i32
    %scan3A_8 = arith.addi %scan3A_6, %scan3A_7 : i32
    %scan3A_9 = arith.constant 1 : i32
    %scan3A_10:2 = scf.for %scan3A_42 = %scan3A_6 to %scan3A_8 step %scan3A_9 iter_args(%scan3A_43 = %scan3A, %scan3A_44 = %scan3A_5) -> (i32, i32)  : i32 {
      %add3A_45 = vector.broadcast %scan3A_44 : i32 to vector<16xi32>
      %add3A_46 = arith.addi %add3A_45, %iota3A : vector<16xi32>
      %ge3A = arith.constant 50 : i32
      %ge3A_47 = vector.broadcast %ge3A : i32 to vector<16xi32>
      %ge3A_48 = arith.cmpi sge, %add3A_46, %ge3A_47 : vector<16xi32>
      %jit3A = arith.constant 1 : i32
      %jit3A_49 = arith.constant 0 : i32
      %broadcast_in_dim3A = vector.broadcast %jit3A : i32 to vector<16xi32>
      %broadcast_in_dim3A_50 = vector.broadcast %jit3A_49 : i32 to vector<16xi32>
      %select_n3A = arith.select %ge3A_48, %broadcast_in_dim3A, %broadcast_in_dim3A_50 : vector<16xi1>, vector<16xi32>
      %mul3A_51 = arith.constant 50 : i32
      %mul3A_52 = vector.broadcast %mul3A_51 : i32 to vector<16xi32>
      %mul3A_53 = arith.muli %mul3A_52, %select_n3A : vector<16xi32>
      %sub3A = arith.subi %add3A_46, %mul3A_53 : vector<16xi32>
      %mul3A_54 = arith.constant 4096 : i32
      %mul3A_55 = vector.broadcast %mul3A_54 : i32 to vector<16xi32>
      %mul3A_56 = arith.muli %sub3A, %mul3A_55 : vector<16xi32>
      %add3A_57 = arith.addi %mul3A_4, %scan3A_43 : i32
      %add3A_58 = vector.broadcast %add3A_57 : i32 to vector<16xi32>
      %add3A_59 = arith.addi %add3A_58, %select_n3A : vector<16xi32>
      %add3A_60 = arith.addi %mul3A_56, %add3A_59 : vector<16xi32>
      %swap3A = arith.index_cast %scan3A_42 : i32 to index
      %swap3A_61 = arith.constant 0 : index
      %swap3A_62 = tpu.vector_load %arg6[%swap3A, %swap3A_61] {strides = array<i32>} : memref<50x128xi32, #tpu.memory_space<vmem>>, vector<1x16xi32>,
      %swap3A_63 = vector.shape_cast %swap3A_62 : vector<1x16xi32> to vector<16xi32>
      %swap3A_64 = vector.shape_cast %add3A_60 : vector<16xi32> to vector<1x16xi32>
      tpu.vector_store %arg6[%swap3A, %swap3A_61], %swap3A_64 {strides = array<i32>} : memref<50x128xi32, #tpu.memory_space<vmem>>, vector<1x16xi32>,
      %add3A_65 = arith.constant 16 : i32
      %add3A_66 = arith.addi %scan3A_44, %add3A_65 : i32
      %ge3A_67 = arith.constant 50 : i32
      %ge3A_68 = arith.cmpi sge, %add3A_66, %ge3A_67 : i32
      %jit3A_69 = arith.constant 1 : i32
      %jit3A_70 = arith.constant 0 : i32
      %select_n3A_71 = arith.select %ge3A_68, %jit3A_69, %jit3A_70 : i32
      %add3A_72 = arith.addi %scan3A_43, %select_n3A_71 : i32
      %mul3A_73 = arith.constant 50 : i32
      %mul3A_74 = arith.muli %mul3A_73, %select_n3A_71 : i32
      %sub3A_75 = arith.subi %add3A_66, %mul3A_74 : i32
      %add3A_76 = vector.broadcast %sub3A_75 : i32 to vector<16xi32>
      %add3A_77 = arith.addi %add3A_76, %iota3A : vector<16xi32>
      %ge3A_78 = arith.constant 50 : i32
      %ge3A_79 = vector.broadcast %ge3A_78 : i32 to vector<16xi32>
      %ge3A_80 = arith.cmpi sge, %add3A_77, %ge3A_79 : vector<16xi32>
      %jit3A_81 = arith.constant 1 : i32
      %jit3A_82 = arith.constant 0 : i32
      %broadcast_in_dim3A_83 = vector.broadcast %jit3A_81 : i32 to vector<16xi32>
      %broadcast_in_dim3A_84 = vector.broadcast %jit3A_82 : i32 to vector<16xi32>
      %select_n3A_85 = arith.select %ge3A_80, %broadcast_in_dim3A_83, %broadcast_in_dim3A_84 : vector<16xi1>, vector<16xi32>
      %mul3A_86 = arith.constant 50 : i32
      %mul3A_87 = vector.broadcast %mul3A_86 : i32 to vector<16xi32>
      %mul3A_88 = arith.muli %mul3A_87, %select_n3A_85 : vector<16xi32>
      %sub3A_89 = arith.subi %add3A_77, %mul3A_88 : vector<16xi32>
      %mul3A_90 = arith.constant 4096 : i32
      %mul3A_91 = vector.broadcast %mul3A_90 : i32 to vector<16xi32>
      %mul3A_92 = arith.muli %sub3A_89, %mul3A_91 : vector<16xi32>
      %add3A_93 = arith.addi %mul3A_4, %add3A_72 : i32
      %add3A_94 = vector.broadcast %add3A_93 : i32 to vector<16xi32>
      %add3A_95 = arith.addi %add3A_94, %select_n3A_85 : vector<16xi32>
      %add3A_96 = arith.addi %mul3A_92, %add3A_95 : vector<16xi32>
      %swap3A_97 = arith.index_cast %scan3A_42 : i32 to index
      %swap3A_98 = arith.constant 16 : index
      %swap3A_99 = tpu.vector_load %arg6[%swap3A_97, %swap3A_98] {strides = array<i32>} : memref<50x128xi32, #tpu.memory_space<vmem>>, vector<1x16xi32>,
      %swap3A_100 = vector.shape_cast %swap3A_99 : vector<1x16xi32> to vector<16xi32>
      %swap3A_101 = vector.shape_cast %add3A_96 : vector<16xi32> to vector<1x16xi32>
      tpu.vector_store %arg6[%swap3A_97, %swap3A_98], %swap3A_101 {strides = array<i32>} : memref<50x128xi32, #tpu.memory_space<vmem>>, vector<1x16xi32>,
      %add3A_102 = arith.constant 16 : i32
      %add3A_103 = arith.addi %sub3A_75, %add3A_102 : i32
      %ge3A_104 = arith.constant 50 : i32
      %ge3A_105 = arith.cmpi sge, %add3A_103, %ge3A_104 : i32
      %jit3A_106 = arith.constant 1 : i32
      %jit3A_107 = arith.constant 0 : i32
      %select_n3A_108 = arith.select %ge3A_105, %jit3A_106, %jit3A_107 : i32
      %add3A_109 = arith.addi %add3A_72, %select_n3A_108 : i32
      %mul3A_110 = arith.constant 50 : i32
      %mul3A_111 = arith.muli %mul3A_110, %select_n3A_108 : i32
      %sub3A_112 = arith.subi %add3A_103, %mul3A_111 : i32
      %add3A_113 = vector.broadcast %sub3A_112 : i32 to vector<16xi32>
      %add3A_114 = arith.addi %add3A_113, %iota3A : vector<16xi32>
      %ge3A_115 = arith.constant 50 : i32
      %ge3A_116 = vector.broadcast %ge3A_115 : i32 to vector<16xi32>
      %ge3A_117 = arith.cmpi sge, %add3A_114, %ge3A_116 : vector<16xi32>
      %jit3A_118 = arith.constant 1 : i32
      %jit3A_119 = arith.constant 0 : i32
      %broadcast_in_dim3A_120 = vector.broadcast %jit3A_118 : i32 to vector<16xi32>
      %broadcast_in_dim3A_121 = vector.broadcast %jit3A_119 : i32 to vector<16xi32>
      %select_n3A_122 = arith.select %ge3A_117, %broadcast_in_dim3A_120, %broadcast_in_dim3A_121 : vector<16xi1>, vector<16xi32>
      %mul3A_123 = arith.constant 50 : i32
      %mul3A_124 = vector.broadcast %mul3A_123 : i32 to vector<16xi32>
      %mul3A_125 = arith.muli %mul3A_124, %select_n3A_122 : vector<16xi32>
      %sub3A_126 = arith.subi %add3A_114, %mul3A_125 : vector<16xi32>
      %mul3A_127 = arith.constant 4096 : i32
      %mul3A_128 = vector.broadcast %mul3A_127 : i32 to vector<16xi32>
      %mul3A_129 = arith.muli %sub3A_126, %mul3A_128 : vector<16xi32>
      %add3A_130 = arith.addi %mul3A_4, %add3A_109 : i32
      %add3A_131 = vector.broadcast %add3A_130 : i32 to vector<16xi32>
      %add3A_132 = arith.addi %add3A_131, %select_n3A_122 : vector<16xi32>
      %add3A_133 = arith.addi %mul3A_129, %add3A_132 : vector<16xi32>
      %swap3A_134 = arith.index_cast %scan3A_42 : i32 to index
      %swap3A_135 = arith.constant 32 : index
      %swap3A_136 = tpu.vector_load %arg6[%swap3A_134, %swap3A_135] {strides = array<i32>} : memref<50x128xi32, #tpu.memory_space<vmem>>, vector<1x16xi32>,
      %swap3A_137 = vector.shape_cast %swap3A_136 : vector<1x16xi32> to vector<16xi32>
      %swap3A_138 = vector.shape_cast %add3A_133 : vector<16xi32> to vector<1x16xi32>
      tpu.vector_store %arg6[%swap3A_134, %swap3A_135], %swap3A_138 {strides = array<i32>} : memref<50x128xi32, #tpu.memory_space<vmem>>, vector<1x16xi32>,
      %add3A_139 = arith.constant 16 : i32
      %add3A_140 = arith.addi %sub3A_112, %add3A_139 : i32
      %ge3A_141 = arith.constant 50 : i32
      %ge3A_142 = arith.cmpi sge, %add3A_140, %ge3A_141 : i32
      %jit3A_143 = arith.constant 1 : i32
      %jit3A_144 = arith.constant 0 : i32
      %select_n3A_145 = arith.select %ge3A_142, %jit3A_143, %jit3A_144 : i32
      %add3A_146 = arith.addi %add3A_109, %select_n3A_145 : i32
      %mul3A_147 = arith.constant 50 : i32
      %mul3A_148 = arith.muli %mul3A_147, %select_n3A_145 : i32
      %sub3A_149 = arith.subi %add3A_140, %mul3A_148 : i32
      %add3A_150 = vector.broadcast %sub3A_149 : i32 to vector<16xi32>
      %add3A_151 = arith.addi %add3A_150, %iota3A : vector<16xi32>
      %ge3A_152 = arith.constant 50 : i32
      %ge3A_153 = vector.broadcast %ge3A_152 : i32 to vector<16xi32>
      %ge3A_154 = arith.cmpi sge, %add3A_151, %ge3A_153 : vector<16xi32>
      %jit3A_155 = arith.constant 1 : i32
      %jit3A_156 = arith.constant 0 : i32
      %broadcast_in_dim3A_157 = vector.broadcast %jit3A_155 : i32 to vector<16xi32>
      %broadcast_in_dim3A_158 = vector.broadcast %jit3A_156 : i32 to vector<16xi32>
      %select_n3A_159 = arith.select %ge3A_154, %broadcast_in_dim3A_157, %broadcast_in_dim3A_158 : vector<16xi1>, vector<16xi32>
      %mul3A_160 = arith.constant 50 : i32
      %mul3A_161 = vector.broadcast %mul3A_160 : i32 to vector<16xi32>
      %mul3A_162 = arith.muli %mul3A_161, %select_n3A_159 : vector<16xi32>
      %sub3A_163 = arith.subi %add3A_151, %mul3A_162 : vector<16xi32>
      %mul3A_164 = arith.constant 4096 : i32
      %mul3A_165 = vector.broadcast %mul3A_164 : i32 to vector<16xi32>
      %mul3A_166 = arith.muli %sub3A_163, %mul3A_165 : vector<16xi32>
      %add3A_167 = arith.addi %mul3A_4, %add3A_146 : i32
      %add3A_168 = vector.broadcast %add3A_167 : i32 to vector<16xi32>
      %add3A_169 = arith.addi %add3A_168, %select_n3A_159 : vector<16xi32>
      %add3A_170 = arith.addi %mul3A_166, %add3A_169 : vector<16xi32>
      %swap3A_171 = arith.index_cast %scan3A_42 : i32 to index
      %swap3A_172 = arith.constant 48 : index
      %swap3A_173 = tpu.vector_load %arg6[%swap3A_171, %swap3A_172] {strides = array<i32>} : memref<50x128xi32, #tpu.memory_space<vmem>>, vector<1x16xi32>,
      %swap3A_174 = vector.shape_cast %swap3A_173 : vector<1x16xi32> to vector<16xi32>
      %swap3A_175 = vector.shape_cast %add3A_170 : vector<16xi32> to vector<1x16xi32>
      tpu.vector_store %arg6[%swap3A_171, %swap3A_172], %swap3A_175 {strides = array<i32>} : memref<50x128xi32, #tpu.memory_space<vmem>>, vector<1x16xi32>,
      %add3A_176 = arith.constant 16 : i32
      %add3A_177 = arith.addi %sub3A_149, %add3A_176 : i32
      %ge3A_178 = arith.constant 50 : i32
      %ge3A_179 = arith.cmpi sge, %add3A_177, %ge3A_178 : i32
      %jit3A_180 = arith.constant 1 : i32
      %jit3A_181 = arith.constant 0 : i32
      %select_n3A_182 = arith.select %ge3A_179, %jit3A_180, %jit3A_181 : i32
      %add3A_183 = arith.addi %add3A_146, %select_n3A_182 : i32
      %mul3A_184 = arith.constant 50 : i32
      %mul3A_185 = arith.muli %mul3A_184, %select_n3A_182 : i32
      %sub3A_186 = arith.subi %add3A_177, %mul3A_185 : i32
      %add3A_187 = vector.broadcast %sub3A_186 : i32 to vector<16xi32>
      %add3A_188 = arith.addi %add3A_187, %iota3A : vector<16xi32>
      %ge3A_189 = arith.constant 50 : i32
      %ge3A_190 = vector.broadcast %ge3A_189 : i32 to vector<16xi32>
      %ge3A_191 = arith.cmpi sge, %add3A_188, %ge3A_190 : vector<16xi32>
      %jit3A_192 = arith.constant 1 : i32
      %jit3A_193 = arith.constant 0 : i32
      %broadcast_in_dim3A_194 = vector.broadcast %jit3A_192 : i32 to vector<16xi32>
      %broadcast_in_dim3A_195 = vector.broadcast %jit3A_193 : i32 to vector<16xi32>
      %select_n3A_196 = arith.select %ge3A_191, %broadcast_in_dim3A_194, %broadcast_in_dim3A_195 : vector<16xi1>, vector<16xi32>
      %mul3A_197 = arith.constant 50 : i32
      %mul3A_198 = vector.broadcast %mul3A_197 : i32 to vector<16xi32>
      %mul3A_199 = arith.muli %mul3A_198, %select_n3A_196 : vector<16xi32>
      %sub3A_200 = arith.subi %add3A_188, %mul3A_199 : vector<16xi32>
      %mul3A_201 = arith.constant 4096 : i32
      %mul3A_202 = vector.broadcast %mul3A_201 : i32 to vector<16xi32>
      %mul3A_203 = arith.muli %sub3A_200, %mul3A_202 : vector<16xi32>
      %add3A_204 = arith.addi %mul3A_4, %add3A_183 : i32
      %add3A_205 = vector.broadcast %add3A_204 : i32 to vector<16xi32>
      %add3A_206 = arith.addi %add3A_205, %select_n3A_196 : vector<16xi32>
      %add3A_207 = arith.addi %mul3A_203, %add3A_206 : vector<16xi32>
      %swap3A_208 = arith.index_cast %scan3A_42 : i32 to index
      %swap3A_209 = arith.constant 64 : index
      %swap3A_210 = tpu.vector_load %arg6[%swap3A_208, %swap3A_209] {strides = array<i32>} : memref<50x128xi32, #tpu.memory_space<vmem>>, vector<1x16xi32>,
      %swap3A_211 = vector.shape_cast %swap3A_210 : vector<1x16xi32> to vector<16xi32>
      %swap3A_212 = vector.shape_cast %add3A_207 : vector<16xi32> to vector<1x16xi32>
      tpu.vector_store %arg6[%swap3A_208, %swap3A_209], %swap3A_212 {strides = array<i32>} : memref<50x128xi32, #tpu.memory_space<vmem>>, vector<1x16xi32>,
      %add3A_213 = arith.constant 16 : i32
      %add3A_214 = arith.addi %sub3A_186, %add3A_213 : i32
      %ge3A_215 = arith.constant 50 : i32
      %ge3A_216 = arith.cmpi sge, %add3A_214, %ge3A_215 : i32
      %jit3A_217 = arith.constant 1 : i32
      %jit3A_218 = arith.constant 0 : i32
      %select_n3A_219 = arith.select %ge3A_216, %jit3A_217, %jit3A_218 : i32
      %add3A_220 = arith.addi %add3A_183, %select_n3A_219 : i32
      %mul3A_221 = arith.constant 50 : i32
      %mul3A_222 = arith.muli %mul3A_221, %select_n3A_219 : i32
      %sub3A_223 = arith.subi %add3A_214, %mul3A_222 : i32
      %add3A_224 = vector.broadcast %sub3A_223 : i32 to vector<16xi32>
      %add3A_225 = arith.addi %add3A_224, %iota3A : vector<16xi32>
      %ge3A_226 = arith.constant 50 : i32
      %ge3A_227 = vector.broadcast %ge3A_226 : i32 to vector<16xi32>
      %ge3A_228 = arith.cmpi sge, %add3A_225, %ge3A_227 : vector<16xi32>
      %jit3A_229 = arith.constant 1 : i32
      %jit3A_230 = arith.constant 0 : i32
      %broadcast_in_dim3A_231 = vector.broadcast %jit3A_229 : i32 to vector<16xi32>
      %broadcast_in_dim3A_232 = vector.broadcast %jit3A_230 : i32 to vector<16xi32>
      %select_n3A_233 = arith.select %ge3A_228, %broadcast_in_dim3A_231, %broadcast_in_dim3A_232 : vector<16xi1>, vector<16xi32>
      %mul3A_234 = arith.constant 50 : i32
      %mul3A_235 = vector.broadcast %mul3A_234 : i32 to vector<16xi32>
      %mul3A_236 = arith.muli %mul3A_235, %select_n3A_233 : vector<16xi32>
      %sub3A_237 = arith.subi %add3A_225, %mul3A_236 : vector<16xi32>
      %mul3A_238 = arith.constant 4096 : i32
      %mul3A_239 = vector.broadcast %mul3A_238 : i32 to vector<16xi32>
      %mul3A_240 = arith.muli %sub3A_237, %mul3A_239 : vector<16xi32>
      %add3A_241 = arith.addi %mul3A_4, %add3A_220 : i32
      %add3A_242 = vector.broadcast %add3A_241 : i32 to vector<16xi32>
      %add3A_243 = arith.addi %add3A_242, %select_n3A_233 : vector<16xi32>
      %add3A_244 = arith.addi %mul3A_240, %add3A_243 : vector<16xi32>
      %swap3A_245 = arith.index_cast %scan3A_42 : i32 to index
      %swap3A_246 = arith.constant 80 : index
      %swap3A_247 = tpu.vector_load %arg6[%swap3A_245, %swap3A_246] {strides = array<i32>} : memref<50x128xi32, #tpu.memory_space<vmem>>, vector<1x16xi32>,
      %swap3A_248 = vector.shape_cast %swap3A_247 : vector<1x16xi32> to vector<16xi32>
      %swap3A_249 = vector.shape_cast %add3A_244 : vector<16xi32> to vector<1x16xi32>
      tpu.vector_store %arg6[%swap3A_245, %swap3A_246], %swap3A_249 {strides = array<i32>} : memref<50x128xi32, #tpu.memory_space<vmem>>, vector<1x16xi32>,
      %add3A_250 = arith.constant 16 : i32
      %add3A_251 = arith.addi %sub3A_223, %add3A_250 : i32
      %ge3A_252 = arith.constant 50 : i32
      %ge3A_253 = arith.cmpi sge, %add3A_251, %ge3A_252 : i32
      %jit3A_254 = arith.constant 1 : i32
      %jit3A_255 = arith.constant 0 : i32
      %select_n3A_256 = arith.select %ge3A_253, %jit3A_254, %jit3A_255 : i32
      %add3A_257 = arith.addi %add3A_220, %select_n3A_256 : i32
      %mul3A_258 = arith.constant 50 : i32
      %mul3A_259 = arith.muli %mul3A_258, %select_n3A_256 : i32
      %sub3A_260 = arith.subi %add3A_251, %mul3A_259 : i32
      %add3A_261 = vector.broadcast %sub3A_260 : i32 to vector<16xi32>
      %add3A_262 = arith.addi %add3A_261, %iota3A : vector<16xi32>
      %ge3A_263 = arith.constant 50 : i32
      %ge3A_264 = vector.broadcast %ge3A_263 : i32 to vector<16xi32>
      %ge3A_265 = arith.cmpi sge, %add3A_262, %ge3A_264 : vector<16xi32>
      %jit3A_266 = arith.constant 1 : i32
      %jit3A_267 = arith.constant 0 : i32
      %broadcast_in_dim3A_268 = vector.broadcast %jit3A_266 : i32 to vector<16xi32>
      %broadcast_in_dim3A_269 = vector.broadcast %jit3A_267 : i32 to vector<16xi32>
      %select_n3A_270 = arith.select %ge3A_265, %broadcast_in_dim3A_268, %broadcast_in_dim3A_269 : vector<16xi1>, vector<16xi32>
      %mul3A_271 = arith.constant 50 : i32
      %mul3A_272 = vector.broadcast %mul3A_271 : i32 to vector<16xi32>
      %mul3A_273 = arith.muli %mul3A_272, %select_n3A_270 : vector<16xi32>
      %sub3A_274 = arith.subi %add3A_262, %mul3A_273 : vector<16xi32>
      %mul3A_275 = arith.constant 4096 : i32
      %mul3A_276 = vector.broadcast %mul3A_275 : i32 to vector<16xi32>
      %mul3A_277 = arith.muli %sub3A_274, %mul3A_276 : vector<16xi32>
      %add3A_278 = arith.addi %mul3A_4, %add3A_257 : i32
      %add3A_279 = vector.broadcast %add3A_278 : i32 to vector<16xi32>
      %add3A_280 = arith.addi %add3A_279, %select_n3A_270 : vector<16xi32>
      %add3A_281 = arith.addi %mul3A_277, %add3A_280 : vector<16xi32>
      %swap3A_282 = arith.index_cast %scan3A_42 : i32 to index
      %swap3A_283 = arith.constant 96 : index
      %swap3A_284 = tpu.vector_load %arg6[%swap3A_282, %swap3A_283] {strides = array<i32>} : memref<50x128xi32, #tpu.memory_space<vmem>>, vector<1x16xi32>,
      %swap3A_285 = vector.shape_cast %swap3A_284 : vector<1x16xi32> to vector<16xi32>
      %swap3A_286 = vector.shape_cast %add3A_281 : vector<16xi32> to vector<1x16xi32>
      tpu.vector_store %arg6[%swap3A_282, %swap3A_283], %swap3A_286 {strides = array<i32>} : memref<50x128xi32, #tpu.memory_space<vmem>>, vector<1x16xi32>,
      %add3A_287 = arith.constant 16 : i32
      %add3A_288 = arith.addi %sub3A_260, %add3A_287 : i32
      %ge3A_289 = arith.constant 50 : i32
      %ge3A_290 = arith.cmpi sge, %add3A_288, %ge3A_289 : i32
      %jit3A_291 = arith.constant 1 : i32
      %jit3A_292 = arith.constant 0 : i32
      %select_n3A_293 = arith.select %ge3A_290, %jit3A_291, %jit3A_292 : i32
      %add3A_294 = arith.addi %add3A_257, %select_n3A_293 : i32
      %mul3A_295 = arith.constant 50 : i32
      %mul3A_296 = arith.muli %mul3A_295, %select_n3A_293 : i32
      %sub3A_297 = arith.subi %add3A_288, %mul3A_296 : i32
      %add3A_298 = vector.broadcast %sub3A_297 : i32 to vector<16xi32>
      %add3A_299 = arith.addi %add3A_298, %iota3A : vector<16xi32>
      %ge3A_300 = arith.constant 50 : i32
      %ge3A_301 = vector.broadcast %ge3A_300 : i32 to vector<16xi32>
      %ge3A_302 = arith.cmpi sge, %add3A_299, %ge3A_301 : vector<16xi32>
      %jit3A_303 = arith.constant 1 : i32
      %jit3A_304 = arith.constant 0 : i32
      %broadcast_in_dim3A_305 = vector.broadcast %jit3A_303 : i32 to vector<16xi32>
      %broadcast_in_dim3A_306 = vector.broadcast %jit3A_304 : i32 to vector<16xi32>
      %select_n3A_307 = arith.select %ge3A_302, %broadcast_in_dim3A_305, %broadcast_in_dim3A_306 : vector<16xi1>, vector<16xi32>
      %mul3A_308 = arith.constant 50 : i32
      %mul3A_309 = vector.broadcast %mul3A_308 : i32 to vector<16xi32>
      %mul3A_310 = arith.muli %mul3A_309, %select_n3A_307 : vector<16xi32>
      %sub3A_311 = arith.subi %add3A_299, %mul3A_310 : vector<16xi32>
      %mul3A_312 = arith.constant 4096 : i32
      %mul3A_313 = vector.broadcast %mul3A_312 : i32 to vector<16xi32>
      %mul3A_314 = arith.muli %sub3A_311, %mul3A_313 : vector<16xi32>
      %add3A_315 = arith.addi %mul3A_4, %add3A_294 : i32
      %add3A_316 = vector.broadcast %add3A_315 : i32 to vector<16xi32>
      %add3A_317 = arith.addi %add3A_316, %select_n3A_307 : vector<16xi32>
      %add3A_318 = arith.addi %mul3A_314, %add3A_317 : vector<16xi32>
      %swap3A_319 = arith.index_cast %scan3A_42 : i32 to index
      %swap3A_320 = arith.constant 112 : index
      %swap3A_321 = tpu.vector_load %arg6[%swap3A_319, %swap3A_320] {strides = array<i32>} : memref<50x128xi32, #tpu.memory_space<vmem>>, vector<1x16xi32>,
      %swap3A_322 = vector.shape_cast %swap3A_321 : vector<1x16xi32> to vector<16xi32>
      %swap3A_323 = vector.shape_cast %add3A_318 : vector<16xi32> to vector<1x16xi32>
      tpu.vector_store %arg6[%swap3A_319, %swap3A_320], %swap3A_323 {strides = array<i32>} : memref<50x128xi32, #tpu.memory_space<vmem>>, vector<1x16xi32>,
      %add3A_324 = arith.constant 16 : i32
      %add3A_325 = arith.addi %sub3A_297, %add3A_324 : i32
      %ge3A_326 = arith.constant 50 : i32
      %ge3A_327 = arith.cmpi sge, %add3A_325, %ge3A_326 : i32
      %jit3A_328 = arith.constant 1 : i32
      %jit3A_329 = arith.constant 0 : i32
      %select_n3A_330 = arith.select %ge3A_327, %jit3A_328, %jit3A_329 : i32
      %add3A_331 = arith.addi %add3A_294, %select_n3A_330 : i32
      %mul3A_332 = arith.constant 50 : i32
      %mul3A_333 = arith.muli %mul3A_332, %select_n3A_330 : i32
      %sub3A_334 = arith.subi %add3A_325, %mul3A_333 : i32
      scf.yield %add3A_331, %sub3A_334 : i32, i32
    }
    %scan3A_11 = arith.constant 50 : i32
    %dma_start3A = arith.constant 0 : i32
    %dma_start3A_12 = tpu.memref_slice %arg5[%dma_start3A] : memref<6400xi32, #tpu.memory_space<vmem>> -> memref<128xi32, #tpu.memory_space<vmem>>
    %dma_start3A_13 = arith.constant 0 : i32
    %dma_start3A_14 = arith.constant 0 : i32
    %dma_start3A_15 = tpu.memref_slice %arg3[%dma_start3A_13, %dma_start3A_14] : memref<100000x128xf32, #tpu.memory_space<hbm>> -> memref<100000x128xf32, #tpu.memory_space<hbm>>
    tpu.enqueue_indirect_dma source(%dma_start3A_15 : memref<100000x128xf32, #tpu.memory_space<hbm>>) target(%arg7 : memref<128x128xf32, #tpu.memory_space<vmem>>) offsets(%dma_start3A_12 : memref<128xi32, #tpu.memory_space<vmem>>) semaphore(%arg12 : memref<!tpu.dma_semaphore, #tpu.memory_space<semaphore_mem>>)
    %dma_start3A_16 = arith.constant 128 : i32
    %dma_start3A_17 = tpu.memref_slice %arg5[%dma_start3A_16] : memref<6400xi32, #tpu.memory_space<vmem>> -> memref<128xi32, #tpu.memory_space<vmem>>
    %dma_start3A_18 = arith.constant 0 : i32
    %dma_start3A_19 = arith.constant 0 : i32
    %dma_start3A_20 = tpu.memref_slice %arg3[%dma_start3A_18, %dma_start3A_19] : memref<100000x128xf32, #tpu.memory_space<hbm>> -> memref<100000x128xf32, #tpu.memory_space<hbm>>
    tpu.enqueue_indirect_dma source(%dma_start3A_20 : memref<100000x128xf32, #tpu.memory_space<hbm>>) target(%arg8 : memref<128x128xf32, #tpu.memory_space<vmem>>) offsets(%dma_start3A_17 : memref<128xi32, #tpu.memory_space<vmem>>) semaphore(%arg13 : memref<!tpu.dma_semaphore, #tpu.memory_space<semaphore_mem>>)
    %dma_start3A_21 = arith.constant 256 : i32
    %dma_start3A_22 = tpu.memref_slice %arg5[%dma_start3A_21] : memref<6400xi32, #tpu.memory_space<vmem>> -> memref<128xi32, #tpu.memory_space<vmem>>
    %dma_start3A_23 = arith.constant 0 : i32
    %dma_start3A_24 = arith.constant 0 : i32
    %dma_start3A_25 = tpu.memref_slice %arg3[%dma_start3A_23, %dma_start3A_24] : memref<100000x128xf32, #tpu.memory_space<hbm>> -> memref<100000x128xf32, #tpu.memory_space<hbm>>
    tpu.enqueue_indirect_dma source(%dma_start3A_25 : memref<100000x128xf32, #tpu.memory_space<hbm>>) target(%arg9 : memref<128x128xf32, #tpu.memory_space<vmem>>) offsets(%dma_start3A_22 : memref<128xi32, #tpu.memory_space<vmem>>) semaphore(%arg14 : memref<!tpu.dma_semaphore, #tpu.memory_space<semaphore_mem>>)
    %dma_start3A_26 = arith.constant 384 : i32
    %dma_start3A_27 = tpu.memref_slice %arg5[%dma_start3A_26] : memref<6400xi32, #tpu.memory_space<vmem>> -> memref<128xi32, #tpu.memory_space<vmem>>
    %dma_start3A_28 = arith.constant 0 : i32
    %dma_start3A_29 = arith.constant 0 : i32
    %dma_start3A_30 = tpu.memref_slice %arg3[%dma_start3A_28, %dma_start3A_29] : memref<100000x128xf32, #tpu.memory_space<hbm>> -> memref<100000x128xf32, #tpu.memory_space<hbm>>
    tpu.enqueue_indirect_dma source(%dma_start3A_30 : memref<100000x128xf32, #tpu.memory_space<hbm>>) target(%arg10 : memref<128x128xf32, #tpu.memory_space<vmem>>) offsets(%dma_start3A_27 : memref<128xi32, #tpu.memory_space<vmem>>) semaphore(%arg15 : memref<!tpu.dma_semaphore, #tpu.memory_space<semaphore_mem>>)
    %dma_start3A_31 = arith.constant 512 : i32
    %dma_start3A_32 = tpu.memref_slice %arg5[%dma_start3A_31] : memref<6400xi32, #tpu.memory_space<vmem>> -> memref<128xi32, #tpu.memory_space<vmem>>
    %dma_start3A_33 = arith.constant 0 : i32
    %dma_start3A_34 = arith.constant 0 : i32
    %dma_start3A_35 = tpu.memref_slice %arg3[%dma_start3A_33, %dma_start3A_34] : memref<100000x128xf32, #tpu.memory_space<hbm>> -> memref<100000x128xf32, #tpu.memory_space<hbm>>
    tpu.enqueue_indirect_dma source(%dma_start3A_35 : memref<100000x128xf32, #tpu.memory_space<hbm>>) target(%arg11 : memref<128x128xf32, #tpu.memory_space<vmem>>) offsets(%dma_start3A_32 : memref<128xi32, #tpu.memory_space<vmem>>) semaphore(%arg16 : memref<!tpu.dma_semaphore, #tpu.memory_space<semaphore_mem>>)
    %scan3A_36 = arith.constant 0 : i32
    %scan3A_37 = arith.constant 0 : i32
    %scan3A_38 = arith.constant 10 : i32
    %scan3A_39 = arith.addi %scan3A_37, %scan3A_38 : i32
    %scan3A_40 = arith.constant 1 : i32
    scf.for %scan3A_42 = %scan3A_37 to %scan3A_39 step %scan3A_40  : i32 {
      %mul3A_43 = arith.constant 5 : i32
      %mul3A_44 = arith.muli %scan3A_42, %mul3A_43 : i32
      %add3A_45 = arith.constant 0 : i32
      %add3A_46 = arith.addi %mul3A_44, %add3A_45 : i32
      %dma_wait3A = arith.constant 0 : i32
      %dma_wait3A_47 = arith.constant 0 : i32
      %dma_wait3A_48 = tpu.memref_slice %arg3[%dma_wait3A, %dma_wait3A_47] : memref<100000x128xf32, #tpu.memory_space<hbm>> -> memref<128x128xf32, #tpu.memory_space<hbm>>
      %dma_wait3A_49 = arith.constant 0 : i32
      %dma_wait3A_50 = arith.constant 0 : i32
      %dma_wait3A_51 = tpu.memref_slice %arg3[%dma_wait3A_49, %dma_wait3A_50] : memref<100000x128xf32, #tpu.memory_space<hbm>> -> memref<128x128xf32, #tpu.memory_space<hbm>>
      tpu.wait_dma2 semaphore(%arg12 : memref<!tpu.dma_semaphore, #tpu.memory_space<semaphore_mem>>) src(%dma_wait3A_51 : memref<128x128xf32, #tpu.memory_space<hbm>>) dst(%arg7 : memref<128x128xf32, #tpu.memory_space<vmem>>)
      %dma_start3A_52 = arith.constant 0 : i32
      %dma_start3A_53 = tpu.memref_slice %arg6[%add3A_46, %dma_start3A_52] : memref<50x128xi32, #tpu.memory_space<vmem>> -> memref<1x128xi32, #tpu.memory_space<vmem>>
      %dma_start3A_54 = tpu.memref_squeeze %dma_start3A_53 : memref<1x128xi32, #tpu.memory_space<vmem>> -> memref<128xi32, #tpu.memory_space<vmem>>
      %dma_start3A_55 = arith.constant 0 : i32
      %dma_start3A_56 = arith.constant 0 : i32
      %dma_start3A_57 = tpu.memref_slice %arg4[%dma_start3A_55, %dma_start3A_56] : memref<204800x128xf32, #tpu.memory_space<hbm>> -> memref<204800x128xf32, #tpu.memory_space<hbm>>
      tpu.enqueue_indirect_dma source(%arg7 : memref<128x128xf32, #tpu.memory_space<vmem>>) target(%dma_start3A_57 : memref<204800x128xf32, #tpu.memory_space<hbm>>) offsets(%dma_start3A_54 : memref<128xi32, #tpu.memory_space<vmem>>) semaphore(%arg17 : memref<!tpu.dma_semaphore, #tpu.memory_space<semaphore_mem>>)
      %dma_wait3A_58 = arith.constant 0 : i32
      %dma_wait3A_59 = arith.constant 0 : i32
      %dma_wait3A_60 = tpu.memref_slice %arg4[%dma_wait3A_58, %dma_wait3A_59] : memref<204800x128xf32, #tpu.memory_space<hbm>> -> memref<128x128xf32, #tpu.memory_space<hbm>>
      %dma_wait3A_61 = arith.constant 0 : i32
      %dma_wait3A_62 = arith.constant 0 : i32
      %dma_wait3A_63 = tpu.memref_slice %arg4[%dma_wait3A_61, %dma_wait3A_62] : memref<204800x128xf32, #tpu.memory_space<hbm>> -> memref<128x128xf32, #tpu.memory_space<hbm>>
      tpu.wait_dma2 semaphore(%arg17 : memref<!tpu.dma_semaphore, #tpu.memory_space<semaphore_mem>>) src(%arg7 : memref<128x128xf32, #tpu.memory_space<vmem>>) dst(%dma_wait3A_63 : memref<128x128xf32, #tpu.memory_space<hbm>>)
      %add3A_64 = arith.constant 5 : i32
      %add3A_65 = arith.addi %add3A_46, %add3A_64 : i32
      %lt3A = arith.constant 50 : i32
      %lt3A_66 = arith.cmpi slt, %add3A_65, %lt3A : i32
      %convert_element_type3A = arith.extui %lt3A_66 : i1 to i32
      %cond3A = arith.constant 0 : i32
      %cond3A_67 = arith.cmpi ne, %convert_element_type3A, %cond3A : i32
      scf.if %cond3A_67 {
        %mul3A_184 = arith.constant 128 : i32
        %mul3A_185 = arith.muli %add3A_65, %mul3A_184 : i32
        %dma_start3A_186 = tpu.memref_slice %arg5[%mul3A_185] : memref<6400xi32, #tpu.memory_space<vmem>> -> memref<128xi32, #tpu.memory_space<vmem>>
        %dma_start3A_187 = arith.constant 0 : i32
        %dma_start3A_188 = arith.constant 0 : i32
        %dma_start3A_189 = tpu.memref_slice %arg3[%dma_start3A_187, %dma_start3A_188] : memref<100000x128xf32, #tpu.memory_space<hbm>> -> memref<100000x128xf32, #tpu.memory_space<hbm>>
        tpu.enqueue_indirect_dma source(%dma_start3A_189 : memref<100000x128xf32, #tpu.memory_space<hbm>>) target(%arg7 : memref<128x128xf32, #tpu.memory_space<vmem>>) offsets(%dma_start3A_186 : memref<128xi32, #tpu.memory_space<vmem>>) semaphore(%arg12 : memref<!tpu.dma_semaphore, #tpu.memory_space<semaphore_mem>>)
      } else {
      }
      %mul3A_68 = arith.constant 5 : i32
      %mul3A_69 = arith.muli %scan3A_42, %mul3A_68 : i32
      %add3A_70 = arith.constant 1 : i32
      %add3A_71 = arith.addi %mul3A_69, %add3A_70 : i32
      %dma_wait3A_72 = arith.constant 0 : i32
      %dma_wait3A_73 = arith.constant 0 : i32
      %dma_wait3A_74 = tpu.memref_slice %arg3[%dma_wait3A_72, %dma_wait3A_73] : memref<100000x128xf32, #tpu.memory_space<hbm>> -> memref<128x128xf32, #tpu.memory_space<hbm>>
      %dma_wait3A_75 = arith.constant 0 : i32
      %dma_wait3A_76 = arith.constant 0 : i32
      %dma_wait3A_77 = tpu.memref_slice %arg3[%dma_wait3A_75, %dma_wait3A_76] : memref<100000x128xf32, #tpu.memory_space<hbm>> -> memref<128x128xf32, #tpu.memory_space<hbm>>
      tpu.wait_dma2 semaphore(%arg13 : memref<!tpu.dma_semaphore, #tpu.memory_space<semaphore_mem>>) src(%dma_wait3A_77 : memref<128x128xf32, #tpu.memory_space<hbm>>) dst(%arg8 : memref<128x128xf32, #tpu.memory_space<vmem>>)
      %dma_start3A_78 = arith.constant 0 : i32
      %dma_start3A_79 = tpu.memref_slice %arg6[%add3A_71, %dma_start3A_78] : memref<50x128xi32, #tpu.memory_space<vmem>> -> memref<1x128xi32, #tpu.memory_space<vmem>>
      %dma_start3A_80 = tpu.memref_squeeze %dma_start3A_79 : memref<1x128xi32, #tpu.memory_space<vmem>> -> memref<128xi32, #tpu.memory_space<vmem>>
      %dma_start3A_81 = arith.constant 0 : i32
      %dma_start3A_82 = arith.constant 0 : i32
      %dma_start3A_83 = tpu.memref_slice %arg4[%dma_start3A_81, %dma_start3A_82] : memref<204800x128xf32, #tpu.memory_space<hbm>> -> memref<204800x128xf32, #tpu.memory_space<hbm>>
      tpu.enqueue_indirect_dma source(%arg8 : memref<128x128xf32, #tpu.memory_space<vmem>>) target(%dma_start3A_83 : memref<204800x128xf32, #tpu.memory_space<hbm>>) offsets(%dma_start3A_80 : memref<128xi32, #tpu.memory_space<vmem>>) semaphore(%arg18 : memref<!tpu.dma_semaphore, #tpu.memory_space<semaphore_mem>>)
      %dma_wait3A_84 = arith.constant 0 : i32
      %dma_wait3A_85 = arith.constant 0 : i32
      %dma_wait3A_86 = tpu.memref_slice %arg4[%dma_wait3A_84, %dma_wait3A_85] : memref<204800x128xf32, #tpu.memory_space<hbm>> -> memref<128x128xf32, #tpu.memory_space<hbm>>
      %dma_wait3A_87 = arith.constant 0 : i32
      %dma_wait3A_88 = arith.constant 0 : i32
      %dma_wait3A_89 = tpu.memref_slice %arg4[%dma_wait3A_87, %dma_wait3A_88] : memref<204800x128xf32, #tpu.memory_space<hbm>> -> memref<128x128xf32, #tpu.memory_space<hbm>>
      tpu.wait_dma2 semaphore(%arg18 : memref<!tpu.dma_semaphore, #tpu.memory_space<semaphore_mem>>) src(%arg8 : memref<128x128xf32, #tpu.memory_space<vmem>>) dst(%dma_wait3A_89 : memref<128x128xf32, #tpu.memory_space<hbm>>)
      %add3A_90 = arith.constant 5 : i32
      %add3A_91 = arith.addi %add3A_71, %add3A_90 : i32
      %lt3A_92 = arith.constant 50 : i32
      %lt3A_93 = arith.cmpi slt, %add3A_91, %lt3A_92 : i32
      %convert_element_type3A_94 = arith.extui %lt3A_93 : i1 to i32
      %cond3A_95 = arith.constant 0 : i32
      %cond3A_96 = arith.cmpi ne, %convert_element_type3A_94, %cond3A_95 : i32
      scf.if %cond3A_96 {
        %mul3A_184 = arith.constant 128 : i32
        %mul3A_185 = arith.muli %add3A_91, %mul3A_184 : i32
        %dma_start3A_186 = tpu.memref_slice %arg5[%mul3A_185] : memref<6400xi32, #tpu.memory_space<vmem>> -> memref<128xi32, #tpu.memory_space<vmem>>
        %dma_start3A_187 = arith.constant 0 : i32
        %dma_start3A_188 = arith.constant 0 : i32
        %dma_start3A_189 = tpu.memref_slice %arg3[%dma_start3A_187, %dma_start3A_188] : memref<100000x128xf32, #tpu.memory_space<hbm>> -> memref<100000x128xf32, #tpu.memory_space<hbm>>
        tpu.enqueue_indirect_dma source(%dma_start3A_189 : memref<100000x128xf32, #tpu.memory_space<hbm>>) target(%arg8 : memref<128x128xf32, #tpu.memory_space<vmem>>) offsets(%dma_start3A_186 : memref<128xi32, #tpu.memory_space<vmem>>) semaphore(%arg13 : memref<!tpu.dma_semaphore, #tpu.memory_space<semaphore_mem>>)
      } else {
      }
      %mul3A_97 = arith.constant 5 : i32
      %mul3A_98 = arith.muli %scan3A_42, %mul3A_97 : i32
      %add3A_99 = arith.constant 2 : i32
      %add3A_100 = arith.addi %mul3A_98, %add3A_99 : i32
      %dma_wait3A_101 = arith.constant 0 : i32
      %dma_wait3A_102 = arith.constant 0 : i32
      %dma_wait3A_103 = tpu.memref_slice %arg3[%dma_wait3A_101, %dma_wait3A_102] : memref<100000x128xf32, #tpu.memory_space<hbm>> -> memref<128x128xf32, #tpu.memory_space<hbm>>
      %dma_wait3A_104 = arith.constant 0 : i32
      %dma_wait3A_105 = arith.constant 0 : i32
      %dma_wait3A_106 = tpu.memref_slice %arg3[%dma_wait3A_104, %dma_wait3A_105] : memref<100000x128xf32, #tpu.memory_space<hbm>> -> memref<128x128xf32, #tpu.memory_space<hbm>>
      tpu.wait_dma2 semaphore(%arg14 : memref<!tpu.dma_semaphore, #tpu.memory_space<semaphore_mem>>) src(%dma_wait3A_106 : memref<128x128xf32, #tpu.memory_space<hbm>>) dst(%arg9 : memref<128x128xf32, #tpu.memory_space<vmem>>)
      %dma_start3A_107 = arith.constant 0 : i32
      %dma_start3A_108 = tpu.memref_slice %arg6[%add3A_100, %dma_start3A_107] : memref<50x128xi32, #tpu.memory_space<vmem>> -> memref<1x128xi32, #tpu.memory_space<vmem>>
      %dma_start3A_109 = tpu.memref_squeeze %dma_start3A_108 : memref<1x128xi32, #tpu.memory_space<vmem>> -> memref<128xi32, #tpu.memory_space<vmem>>
      %dma_start3A_110 = arith.constant 0 : i32
      %dma_start3A_111 = arith.constant 0 : i32
      %dma_start3A_112 = tpu.memref_slice %arg4[%dma_start3A_110, %dma_start3A_111] : memref<204800x128xf32, #tpu.memory_space<hbm>> -> memref<204800x128xf32, #tpu.memory_space<hbm>>
      tpu.enqueue_indirect_dma source(%arg9 : memref<128x128xf32, #tpu.memory_space<vmem>>) target(%dma_start3A_112 : memref<204800x128xf32, #tpu.memory_space<hbm>>) offsets(%dma_start3A_109 : memref<128xi32, #tpu.memory_space<vmem>>) semaphore(%arg19 : memref<!tpu.dma_semaphore, #tpu.memory_space<semaphore_mem>>)
      %dma_wait3A_113 = arith.constant 0 : i32
      %dma_wait3A_114 = arith.constant 0 : i32
      %dma_wait3A_115 = tpu.memref_slice %arg4[%dma_wait3A_113, %dma_wait3A_114] : memref<204800x128xf32, #tpu.memory_space<hbm>> -> memref<128x128xf32, #tpu.memory_space<hbm>>
      %dma_wait3A_116 = arith.constant 0 : i32
      %dma_wait3A_117 = arith.constant 0 : i32
      %dma_wait3A_118 = tpu.memref_slice %arg4[%dma_wait3A_116, %dma_wait3A_117] : memref<204800x128xf32, #tpu.memory_space<hbm>> -> memref<128x128xf32, #tpu.memory_space<hbm>>
      tpu.wait_dma2 semaphore(%arg19 : memref<!tpu.dma_semaphore, #tpu.memory_space<semaphore_mem>>) src(%arg9 : memref<128x128xf32, #tpu.memory_space<vmem>>) dst(%dma_wait3A_118 : memref<128x128xf32, #tpu.memory_space<hbm>>)
      %add3A_119 = arith.constant 5 : i32
      %add3A_120 = arith.addi %add3A_100, %add3A_119 : i32
      %lt3A_121 = arith.constant 50 : i32
      %lt3A_122 = arith.cmpi slt, %add3A_120, %lt3A_121 : i32
      %convert_element_type3A_123 = arith.extui %lt3A_122 : i1 to i32
      %cond3A_124 = arith.constant 0 : i32
      %cond3A_125 = arith.cmpi ne, %convert_element_type3A_123, %cond3A_124 : i32
      scf.if %cond3A_125 {
        %mul3A_184 = arith.constant 128 : i32
        %mul3A_185 = arith.muli %add3A_120, %mul3A_184 : i32
        %dma_start3A_186 = tpu.memref_slice %arg5[%mul3A_185] : memref<6400xi32, #tpu.memory_space<vmem>> -> memref<128xi32, #tpu.memory_space<vmem>>
        %dma_start3A_187 = arith.constant 0 : i32
        %dma_start3A_188 = arith.constant 0 : i32
        %dma_start3A_189 = tpu.memref_slice %arg3[%dma_start3A_187, %dma_start3A_188] : memref<100000x128xf32, #tpu.memory_space<hbm>> -> memref<100000x128xf32, #tpu.memory_space<hbm>>
        tpu.enqueue_indirect_dma source(%dma_start3A_189 : memref<100000x128xf32, #tpu.memory_space<hbm>>) target(%arg9 : memref<128x128xf32, #tpu.memory_space<vmem>>) offsets(%dma_start3A_186 : memref<128xi32, #tpu.memory_space<vmem>>) semaphore(%arg14 : memref<!tpu.dma_semaphore, #tpu.memory_space<semaphore_mem>>)
      } else {
      }
      %mul3A_126 = arith.constant 5 : i32
      %mul3A_127 = arith.muli %scan3A_42, %mul3A_126 : i32
      %add3A_128 = arith.constant 3 : i32
      %add3A_129 = arith.addi %mul3A_127, %add3A_128 : i32
      %dma_wait3A_130 = arith.constant 0 : i32
      %dma_wait3A_131 = arith.constant 0 : i32
      %dma_wait3A_132 = tpu.memref_slice %arg3[%dma_wait3A_130, %dma_wait3A_131] : memref<100000x128xf32, #tpu.memory_space<hbm>> -> memref<128x128xf32, #tpu.memory_space<hbm>>
      %dma_wait3A_133 = arith.constant 0 : i32
      %dma_wait3A_134 = arith.constant 0 : i32
      %dma_wait3A_135 = tpu.memref_slice %arg3[%dma_wait3A_133, %dma_wait3A_134] : memref<100000x128xf32, #tpu.memory_space<hbm>> -> memref<128x128xf32, #tpu.memory_space<hbm>>
      tpu.wait_dma2 semaphore(%arg15 : memref<!tpu.dma_semaphore, #tpu.memory_space<semaphore_mem>>) src(%dma_wait3A_135 : memref<128x128xf32, #tpu.memory_space<hbm>>) dst(%arg10 : memref<128x128xf32, #tpu.memory_space<vmem>>)
      %dma_start3A_136 = arith.constant 0 : i32
      %dma_start3A_137 = tpu.memref_slice %arg6[%add3A_129, %dma_start3A_136] : memref<50x128xi32, #tpu.memory_space<vmem>> -> memref<1x128xi32, #tpu.memory_space<vmem>>
      %dma_start3A_138 = tpu.memref_squeeze %dma_start3A_137 : memref<1x128xi32, #tpu.memory_space<vmem>> -> memref<128xi32, #tpu.memory_space<vmem>>
      %dma_start3A_139 = arith.constant 0 : i32
      %dma_start3A_140 = arith.constant 0 : i32
      %dma_start3A_141 = tpu.memref_slice %arg4[%dma_start3A_139, %dma_start3A_140] : memref<204800x128xf32, #tpu.memory_space<hbm>> -> memref<204800x128xf32, #tpu.memory_space<hbm>>
      tpu.enqueue_indirect_dma source(%arg10 : memref<128x128xf32, #tpu.memory_space<vmem>>) target(%dma_start3A_141 : memref<204800x128xf32, #tpu.memory_space<hbm>>) offsets(%dma_start3A_138 : memref<128xi32, #tpu.memory_space<vmem>>) semaphore(%arg20 : memref<!tpu.dma_semaphore, #tpu.memory_space<semaphore_mem>>)
      %dma_wait3A_142 = arith.constant 0 : i32
      %dma_wait3A_143 = arith.constant 0 : i32
      %dma_wait3A_144 = tpu.memref_slice %arg4[%dma_wait3A_142, %dma_wait3A_143] : memref<204800x128xf32, #tpu.memory_space<hbm>> -> memref<128x128xf32, #tpu.memory_space<hbm>>
      %dma_wait3A_145 = arith.constant 0 : i32
      %dma_wait3A_146 = arith.constant 0 : i32
      %dma_wait3A_147 = tpu.memref_slice %arg4[%dma_wait3A_145, %dma_wait3A_146] : memref<204800x128xf32, #tpu.memory_space<hbm>> -> memref<128x128xf32, #tpu.memory_space<hbm>>
      tpu.wait_dma2 semaphore(%arg20 : memref<!tpu.dma_semaphore, #tpu.memory_space<semaphore_mem>>) src(%arg10 : memref<128x128xf32, #tpu.memory_space<vmem>>) dst(%dma_wait3A_147 : memref<128x128xf32, #tpu.memory_space<hbm>>)
      %add3A_148 = arith.constant 5 : i32
      %add3A_149 = arith.addi %add3A_129, %add3A_148 : i32
      %lt3A_150 = arith.constant 50 : i32
      %lt3A_151 = arith.cmpi slt, %add3A_149, %lt3A_150 : i32
      %convert_element_type3A_152 = arith.extui %lt3A_151 : i1 to i32
      %cond3A_153 = arith.constant 0 : i32
      %cond3A_154 = arith.cmpi ne, %convert_element_type3A_152, %cond3A_153 : i32
      scf.if %cond3A_154 {
        %mul3A_184 = arith.constant 128 : i32
        %mul3A_185 = arith.muli %add3A_149, %mul3A_184 : i32
        %dma_start3A_186 = tpu.memref_slice %arg5[%mul3A_185] : memref<6400xi32, #tpu.memory_space<vmem>> -> memref<128xi32, #tpu.memory_space<vmem>>
        %dma_start3A_187 = arith.constant 0 : i32
        %dma_start3A_188 = arith.constant 0 : i32
        %dma_start3A_189 = tpu.memref_slice %arg3[%dma_start3A_187, %dma_start3A_188] : memref<100000x128xf32, #tpu.memory_space<hbm>> -> memref<100000x128xf32, #tpu.memory_space<hbm>>
        tpu.enqueue_indirect_dma source(%dma_start3A_189 : memref<100000x128xf32, #tpu.memory_space<hbm>>) target(%arg10 : memref<128x128xf32, #tpu.memory_space<vmem>>) offsets(%dma_start3A_186 : memref<128xi32, #tpu.memory_space<vmem>>) semaphore(%arg15 : memref<!tpu.dma_semaphore, #tpu.memory_space<semaphore_mem>>)
      } else {
      }
      %mul3A_155 = arith.constant 5 : i32
      %mul3A_156 = arith.muli %scan3A_42, %mul3A_155 : i32
      %add3A_157 = arith.constant 4 : i32
      %add3A_158 = arith.addi %mul3A_156, %add3A_157 : i32
      %dma_wait3A_159 = arith.constant 0 : i32
      %dma_wait3A_160 = arith.constant 0 : i32
      %dma_wait3A_161 = tpu.memref_slice %arg3[%dma_wait3A_159, %dma_wait3A_160] : memref<100000x128xf32, #tpu.memory_space<hbm>> -> memref<128x128xf32, #tpu.memory_space<hbm>>
      %dma_wait3A_162 = arith.constant 0 : i32
      %dma_wait3A_163 = arith.constant 0 : i32
      %dma_wait3A_164 = tpu.memref_slice %arg3[%dma_wait3A_162, %dma_wait3A_163] : memref<100000x128xf32, #tpu.memory_space<hbm>> -> memref<128x128xf32, #tpu.memory_space<hbm>>
      tpu.wait_dma2 semaphore(%arg16 : memref<!tpu.dma_semaphore, #tpu.memory_space<semaphore_mem>>) src(%dma_wait3A_164 : memref<128x128xf32, #tpu.memory_space<hbm>>) dst(%arg11 : memref<128x128xf32, #tpu.memory_space<vmem>>)
      %dma_start3A_165 = arith.constant 0 : i32
      %dma_start3A_166 = tpu.memref_slice %arg6[%add3A_158, %dma_start3A_165] : memref<50x128xi32, #tpu.memory_space<vmem>> -> memref<1x128xi32, #tpu.memory_space<vmem>>
      %dma_start3A_167 = tpu.memref_squeeze %dma_start3A_166 : memref<1x128xi32, #tpu.memory_space<vmem>> -> memref<128xi32, #tpu.memory_space<vmem>>
      %dma_start3A_168 = arith.constant 0 : i32
      %dma_start3A_169 = arith.constant 0 : i32
      %dma_start3A_170 = tpu.memref_slice %arg4[%dma_start3A_168, %dma_start3A_169] : memref<204800x128xf32, #tpu.memory_space<hbm>> -> memref<204800x128xf32, #tpu.memory_space<hbm>>
      tpu.enqueue_indirect_dma source(%arg11 : memref<128x128xf32, #tpu.memory_space<vmem>>) target(%dma_start3A_170 : memref<204800x128xf32, #tpu.memory_space<hbm>>) offsets(%dma_start3A_167 : memref<128xi32, #tpu.memory_space<vmem>>) semaphore(%arg21 : memref<!tpu.dma_semaphore, #tpu.memory_space<semaphore_mem>>)
      %dma_wait3A_171 = arith.constant 0 : i32
      %dma_wait3A_172 = arith.constant 0 : i32
      %dma_wait3A_173 = tpu.memref_slice %arg4[%dma_wait3A_171, %dma_wait3A_172] : memref<204800x128xf32, #tpu.memory_space<hbm>> -> memref<128x128xf32, #tpu.memory_space<hbm>>
      %dma_wait3A_174 = arith.constant 0 : i32
      %dma_wait3A_175 = arith.constant 0 : i32
      %dma_wait3A_176 = tpu.memref_slice %arg4[%dma_wait3A_174, %dma_wait3A_175] : memref<204800x128xf32, #tpu.memory_space<hbm>> -> memref<128x128xf32, #tpu.memory_space<hbm>>
      tpu.wait_dma2 semaphore(%arg21 : memref<!tpu.dma_semaphore, #tpu.memory_space<semaphore_mem>>) src(%arg11 : memref<128x128xf32, #tpu.memory_space<vmem>>) dst(%dma_wait3A_176 : memref<128x128xf32, #tpu.memory_space<hbm>>)
      %add3A_177 = arith.constant 5 : i32
      %add3A_178 = arith.addi %add3A_158, %add3A_177 : i32
      %lt3A_179 = arith.constant 50 : i32
      %lt3A_180 = arith.cmpi slt, %add3A_178, %lt3A_179 : i32
      %convert_element_type3A_181 = arith.extui %lt3A_180 : i1 to i32
      %cond3A_182 = arith.constant 0 : i32
      %cond3A_183 = arith.cmpi ne, %convert_element_type3A_181, %cond3A_182 : i32
      scf.if %cond3A_183 {
        %mul3A_184 = arith.constant 128 : i32
        %mul3A_185 = arith.muli %add3A_178, %mul3A_184 : i32
        %dma_start3A_186 = tpu.memref_slice %arg5[%mul3A_185] : memref<6400xi32, #tpu.memory_space<vmem>> -> memref<128xi32, #tpu.memory_space<vmem>>
        %dma_start3A_187 = arith.constant 0 : i32
        %dma_start3A_188 = arith.constant 0 : i32
        %dma_start3A_189 = tpu.memref_slice %arg3[%dma_start3A_187, %dma_start3A_188] : memref<100000x128xf32, #tpu.memory_space<hbm>> -> memref<100000x128xf32, #tpu.memory_space<hbm>>
        tpu.enqueue_indirect_dma source(%dma_start3A_189 : memref<100000x128xf32, #tpu.memory_space<hbm>>) target(%arg11 : memref<128x128xf32, #tpu.memory_space<vmem>>) offsets(%dma_start3A_186 : memref<128xi32, #tpu.memory_space<vmem>>) semaphore(%arg16 : memref<!tpu.dma_semaphore, #tpu.memory_space<semaphore_mem>>)
      } else {
      }
    }
    %scan3A_41 = arith.constant 10 : i32
    return
  }
}

module attributes {stable_mosaic.version = 14 : i64} {
  func.func @_tc_body(%arg0: i32, %arg1: memref<1x1x4096xi32, #tpu.memory_space<vmem>>, %arg2: memref<128x128xbf16, #tpu.memory_space<vmem>>, %arg3: memref<128x128xbf16, #tpu.memory_space<vmem>>, %arg4: memref<1x4096x128xf32, #tpu.memory_space<vmem>>, %arg5: memref<4096x128xf32, #tpu.memory_space<vmem>>) attributes {dimension_semantics = [#tpu.dimension_semantics<arbitrary>], iteration_bounds = array<i64: 50>, scalar_prefetch = 0 : i64, scratch_operands = 1 : i64, tpu.core_type = #tpu.core_type<tc>, window_params = [{transform_indices = @transform_0, window_bounds = array<i64: 1, 1, 4096>}, {pipeline_mode = #tpu.pipeline_mode<synchronous>, transform_indices = @transform_1, window_bounds = array<i64: 128, 128>}, {pipeline_mode = #tpu.pipeline_mode<synchronous>, transform_indices = @transform_2, window_bounds = array<i64: 128, 128>}, {transform_indices = @transform_3, window_bounds = array<i64: 1, 4096, 128>}]} {
    %get3A = arith.constant 0 : index
    %get3A_0 = arith.constant 0 : index
    %get3A_1 = arith.constant 0 : index
    %get3A_2 = vector.load %arg1[%get3A, %get3A_0, %get3A_1] : memref<1x1x4096xi32, #tpu.memory_space<vmem>>, vector<1x1x4096xi32>
    %get3A_3 = vector.shape_cast %get3A_2 : vector<1x1x4096xi32> to vector<1x4096xi32>
    %broadcast_in_dim3A = vector.shape_cast %get3A_3 : vector<1x4096xi32> to vector<1x4096xi32>
    %broadcast_in_dim3A_4 = vector.broadcast %broadcast_in_dim3A : vector<1x4096xi32> to vector<128x4096xi32>
    %iota3A = tpu.iota {dimensions = array<i32: 0>} : vector<128x4096xi32>
    %eq3A = arith.cmpi eq, %iota3A, %broadcast_in_dim3A_4 : vector<128x4096xi32>
    %convert_element_type3A = arith.extui %eq3A : vector<128x4096xi1> to vector<128x4096xi32>
    %convert_element_type3A_5 = arith.sitofp %convert_element_type3A : vector<128x4096xi32> to vector<128x4096xf32>
    %convert_element_type3A_6 = arith.truncf %convert_element_type3A_5 : vector<128x4096xf32> to vector<128x4096xbf16>
    %get3A_7 = arith.constant 0 : index
    %get3A_8 = arith.constant 0 : index
    %get3A_9 = vector.load %arg2[%get3A_7, %get3A_8] : memref<128x128xbf16, #tpu.memory_space<vmem>>, vector<128x128xbf16>
    %dot_general3A = arith.constant dense<0.000000e+00> : vector<4096x128xf32>
    %dot_general3A_10 = tpu.matmul %convert_element_type3A_6, %get3A_9, %dot_general3A {dimension_numbers = #tpu.dot_dimension_numbers<[0], [0], [1], [1], [0, 1, 1, 1], [], []>, transpose_lhs_hint = false} : vector<128x4096xbf16>, vector<128x128xbf16>, vector<4096x128xf32> -> vector<4096x128xf32>
    %swap3A = arith.constant 0 : index
    %swap3A_11 = arith.constant 0 : index
    %swap3A_12 = vector.load %arg5[%swap3A, %swap3A_11] : memref<4096x128xf32, #tpu.memory_space<vmem>>, vector<4096x128xf32>
    tpu.vector_store %arg5[%swap3A, %swap3A_11], %dot_general3A_10 {strides = array<i32>} : memref<4096x128xf32, #tpu.memory_space<vmem>>, vector<4096x128xf32>,
    %get3A_13 = arith.constant 0 : index
    %get3A_14 = arith.constant 0 : index
    %get3A_15 = vector.load %arg3[%get3A_13, %get3A_14] : memref<128x128xbf16, #tpu.memory_space<vmem>>, vector<128x128xbf16>
    %dot_general3A_16 = arith.constant dense<0.000000e+00> : vector<4096x128xf32>
    %dot_general3A_17 = tpu.matmul %convert_element_type3A_6, %get3A_15, %dot_general3A_16 {dimension_numbers = #tpu.dot_dimension_numbers<[0], [0], [1], [1], [0, 1, 1, 1], [], []>, transpose_lhs_hint = false} : vector<128x4096xbf16>, vector<128x128xbf16>, vector<4096x128xf32> -> vector<4096x128xf32>
    %get3A_18 = arith.constant 0 : index
    %get3A_19 = arith.constant 0 : index
    %get3A_20 = vector.load %arg5[%get3A_18, %get3A_19] : memref<4096x128xf32, #tpu.memory_space<vmem>>, vector<4096x128xf32>
    %add3A = arith.addf %get3A_20, %dot_general3A_17 : vector<4096x128xf32>
    %reshape3A = vector.shape_cast %add3A : vector<4096x128xf32> to vector<1x4096x128xf32>
    %swap3A_21 = arith.constant 0 : index
    %swap3A_22 = arith.constant 0 : index
    %swap3A_23 = arith.constant 0 : index
    %swap3A_24 = vector.load %arg4[%swap3A_21, %swap3A_22, %swap3A_23] : memref<1x4096x128xf32, #tpu.memory_space<vmem>>, vector<1x4096x128xf32>
    tpu.vector_store %arg4[%swap3A_21, %swap3A_22, %swap3A_23], %reshape3A {strides = array<i32>} : memref<1x4096x128xf32, #tpu.memory_space<vmem>>, vector<1x4096x128xf32>,
    return
  }
  func.func @transform_0(%arg0: i32) -> (i32, i32, i32) {
    %c0_i32 = arith.constant 0 : i32
    %c0_i32_0 = arith.constant 0 : i32
    %c0_i32_1 = arith.constant 0 : i32
    return %arg0, %c0_i32, %c0_i32_0 : i32, i32, i32
  }
  func.func @transform_1(%arg0: i32) -> (i32, i32) {
    %c0_i32 = arith.constant 0 : i32
    %c0_i32_0 = arith.constant 0 : i32
    %c0_i32_1 = arith.constant 0 : i32
    return %c0_i32, %c0_i32_0 : i32, i32
  }
  func.func @transform_2(%arg0: i32) -> (i32, i32) {
    %c0_i32 = arith.constant 0 : i32
    %c0_i32_0 = arith.constant 0 : i32
    %c0_i32_1 = arith.constant 0 : i32
    return %c0_i32, %c0_i32_0 : i32, i32
  }
  func.func @transform_3(%arg0: i32) -> (i32, i32, i32) {
    %c0_i32 = arith.constant 0 : i32
    %c0_i32_0 = arith.constant 0 : i32
    %c0_i32_1 = arith.constant 0 : i32
    return %arg0, %c0_i32, %c0_i32_0 : i32, i32, i32
  }
}

</mosaic_0001>

<sc_bundles>
// kernel: kernel.4.cloned.1.call-start
scs
__scs_entry_jumppad:
0x0: {  	(pc) =	sbr.rel $0x88, $3  }
0x1: {  	(tag) =	ssettag $0x0;
	lr =	simm.s32 $0x1  }
0x2: {  	[smem:$0x3F9D] =	sst lr;
	_ =	strace $0xD0000000  }
0x3: {  	_ = 	snop  }
0x4: {  	_ = 	snop  }
0x5: {  	_ = 	snop  }
0x6: {  	_ = 	snop  }
0x7: {  	_ = 	snop  }
__scs_overlays_trampoline_lowered:
0x8: {  	[smem:$0x3FAC] =	sst s0  }
0x9: {  	[smem:$0x3FAD] =	sst s1  }
0xa: {  	[smem:$0x3FAE] =	sst s2  }
0xb: {  	[smem:$0x3FAF] =	sst s3  }
0xc: {  	[smem:$0x3FB0] =	sst s4  }
0xd: {  	[smem:$0x3FB1] =	sst s5  }
0xe: {  	[smem:$0x3FB2] =	sst s6  }
0xf: {  	[smem:$0x3FB3] =	sst s7  }
0x10: {  	[smem:$0x3FB4] =	sst s8  }
0x11: {  	[smem:$0x3FB5] =	sst s9;
	s0 =	simm.s32 @!p0 $0x0  }
0x12: {  	s1 =	sld [smem:$0x3F9B];
	s0 =	simm.s32 @p0 $0x1  }
0x13: {  	[smem:$0x3FB6] =	sst s0;
	s0 =	simm.s32 @!p1 $0x0  }
0x14: {  	s2 =	sld [smem:$0x3F9A];
	s0 =	simm.s32 @p1 $0x1  }
0x15: {  	[smem:$0x3FB7] =	sst s0;
	s0 =	simm.s32 @!p2 $0x0  }
0x16: {  	s3 =	sld [smem:$0x3FDB];
	s0 =	simm.s32 @p2 $0x1  }
0x17: {  	s4 =	simm.s32 $0x1BF5;
	[smem:$0x3FB9] =	sst s0  }
0x18: {  	s0 =	sld [smem:$0x3F9C];
	_ =	swait.ge [sflag:s4], $0x0  }
0x19: {  	s7 =	sld [smem:$0x3F9D]  }
0x1a: {  	s8 =	sadd.s32 $0xFFFFE003, lr  }
0x1b: {  	s9 =	sadd.s32 $0xFFFFFEF7, lr;
	s5 =	simm.s32 $0xFFFFFFFF;
	p2 =	slt.u32 s8, $0xFFFFF086  }
0x1c: {  	p1 =	slt.u32 s9, $0xF7A;
	s5 =	simm.s32 @!p2 $0x0  }
0x1d: {  	s5 =	simm.s32 @p1 $0x1;
	p0 =	seq.s32 s7, s2  }
0x1e: {  	s7 =	smul.u32 @!p0 $0xF7A, s2;
	p2 =	seq.s32 @!p0 s5, $0x0  }
0x1f: {  	s9 =	smul.u32 $0xF7A, s1;
	s8 =	simm.s32 @!p0 $0x1BF5;
	p2 =	por !p2, p0  }
0x20: {  	[sflag:s8] =	ssyncset.s32 @!p0 $0xFFFFF086;
	s6 =	sadd.s32 @!p0 s3, s7;
	s7 =	simm.s32 @!p0 $0x108  }
0x21: {  	s3 =	sadd.s32 s3, s9;
	s6 =	sadd.s32 @!p0 $0x88, s6;
	s7 =	simm.s32 @p2 $0x1082  }
0x22: {  	[simem:s7], [sflag:s8] =	dma.local @!p0 [hbm:s6], $0xF7A  }
0x23: {  	s9 =	sor.u32 $0xD0000000, s2;
	s6 =	simm.s32 $0x108;
	_ =	swait.ge @!p0 [sflag:s8], $0x0  }
0x24: {  	s3 =	sadd.s32 $0x88, s3;
	s6 =	simm.s32 @!p1 $0x1082;
	[sflag:s4] =	ssyncset.s32 $0xFFFFF086  }
0x25: {  	[simem:s6], [sflag:s4] =	dma.local [hbm:s3], $0xF7A  }
0x26: {  	[smem:$0x3F9D] =	sst s1;
	(tag) =	ssettag s2;
	_ =	strace s9  }
0x27: {  	s1 =	sld [smem:$0x3FAD]  }
0x28: {  	s2 =	sld [smem:$0x3FAE]  }
0x29: {  	s4 =	sld [smem:$0x3FB0]  }
0x2a: {  	p0 =	seq.s32 s5, $0x0;
	s5 =	sld [smem:$0x3FB1]  }
0x2b: {  	s6 =	sld [smem:$0x3FB2]  }
0x2c: {  	s7 =	sld [smem:$0x3FB3]  }
0x2d: {  	s3 =	simm.s32 $0x108;
	s8 =	sld [smem:$0x3FB4]  }
0x2e: {  	s3 =	simm.s32 @!p0 $0x1082;
	s9 =	sld [smem:$0x3FB5]  }
0x2f: {  	lr =	sadd.s32 s0, s3;
	s0 =	sld [smem:$0x3FAC]  }
0x30: {  	s3 =	sld [smem:$0x3FAF]  }
0x31: {  	[smem:$0x3FB8] =	sst s10  }
0x32: {  	s10 =	sld [smem:$0x3FB6];
	_ =	sdelay $0x3  }
0x33: {  	p0 =	seq.s32 s10, $0x1;
	s10 =	sld [smem:$0x3FB8];
	_ =	sdelay $0x3  }
0x34: {  	[smem:$0x3FB8] =	sst s10  }
0x35: {  	s10 =	sld [smem:$0x3FB7];
	_ =	sdelay $0x3  }
0x36: {  	p1 =	seq.s32 s10, $0x1;
	s10 =	sld [smem:$0x3FB8];
	_ =	sdelay $0x3  }
0x37: {  	[smem:$0x3FB8] =	sst s10  }
0x38: {  	s10 =	sld [smem:$0x3FB9]  }
0x39: {  	_ = 	snop;
	(pc) =	sbr.ind lr, $3  }
0x3a: {  	_ = 	snop  }
0x3b: {  	_ = 	snop  }
0x3c: {  	p2 =	seq.s32 s10, $0x1;
	s10 =	sld [smem:$0x3FB8]  }
0x3d: {  	_ =	shalt  }
0x3e: {  	_ =	shalt  }
0x3f: {  	_ =	shalt  }
0x40: {  	_ =	shalt  }
0x41: {  	_ =	shalt  }
0x42: {  	_ =	shalt  }
0x43: {  	_ =	shalt  }
0x44: {  	_ =	shalt  }
0x45: {  	_ =	shalt  }
0x46: {  	_ =	shalt  }
0x47: {  	_ =	shalt  }
0x48: {  	_ =	shalt  }
0x49: {  	_ =	shalt  }
0x4a: {  	_ =	shalt  }
0x4b: {  	_ =	shalt  }
0x4c: {  	_ =	shalt  }
0x4d: {  	_ =	shalt  }
0x4e: {  	_ =	shalt  }
0x4f: {  	_ =	shalt  }
0x50: {  	_ =	shalt  }
0x51: {  	_ =	shalt  }
0x52: {  	_ =	shalt  }
0x53: {  	_ =	shalt  }
0x54: {  	_ =	shalt  }
0x55: {  	_ =	shalt  }
0x56: {  	_ =	shalt  }
0x57: {  	_ =	shalt  }
0x58: {  	_ =	shalt  }
0x59: {  	_ =	shalt  }
0x5a: {  	_ =	shalt  }
0x5b: {  	_ =	shalt  }
0x5c: {  	_ =	shalt  }
0x5d: {  	_ =	shalt  }
0x5e: {  	_ =	shalt  }
0x5f: {  	_ =	shalt  }
0x60: {  	_ =	shalt  }
0x61: {  	_ =	shalt  }
0x62: {  	_ =	shalt  }
0x63: {  	_ =	shalt  }
0x64: {  	_ =	shalt  }
0x65: {  	_ =	shalt  }
0x66: {  	_ =	shalt  }
0x67: {  	_ =	shalt  }
0x68: {  	_ =	shalt  }
0x69: {  	_ =	shalt  }
0x6a: {  	_ =	shalt  }
0x6b: {  	_ =	shalt  }
0x6c: {  	_ =	shalt  }
0x6d: {  	_ =	shalt  }
0x6e: {  	_ =	shalt  }
0x6f: {  	_ =	shalt  }
0x70: {  	_ =	shalt  }
0x71: {  	_ =	shalt  }
0x72: {  	_ =	shalt  }
0x73: {  	_ =	shalt  }
0x74: {  	_ =	shalt  }
0x75: {  	_ =	shalt  }
0x76: {  	_ =	shalt  }
0x77: {  	_ =	shalt  }
0x78: {  	_ =	shalt  }
0x79: {  	_ =	shalt  }
0x7a: {  	_ =	shalt  }
0x7b: {  	_ =	shalt  }
0x7c: {  	_ =	shalt  }
0x7d: {  	_ =	shalt  }
0x7e: {  	_ =	shalt  }
0x7f: {  	_ =	shalt  }
0x80: {  	_ =	shalt  }
0x81: {  	_ =	shalt  }
0x82: {  	_ =	shalt  }
0x83: {  	_ =	shalt  }
0x84: {  	_ =	shalt  }
0x85: {  	_ =	shalt  }
0x86: {  	_ =	shalt  }
0x87: {  	_ =	shalt  }
.Lfunc_end0:
.L_simem_size_0:
called_computation_lowered:
.L_overlay_start_0:
0x88: {  	s2 =	sld [smem:$0x3FD9]  }
0x89: {  	s3 =	sld [smem:$0x3FFE];
	_ =	sdelay $0x1  }
0x8a: {  	s1 =	srdreg.scid  }
0x8b: {  	s0 =	sand.u32 $0x1, s1  }
0x8c: {  	s14 =	sshll.u32 s0, $0xA;
	s2 =	sadd.s32 s3, s2  }
0x8d: {  	s2 =	sadd.s32 s2, s14  }
0x8e: {  	[smem:$0x3FC4] =	sst s2  }
0x8f: {  	_ = 	snop  }
0x90: {  	s2 =	sld [smem:$0x3FD0];
	_ =	sdelay $0x2  }
0x91: {  	s4 =	simm.s32 $0xA;
	s5 =	simm.s32 $0x10;
	s15 =	sld [smem:$0x3FC7]  }
0x92: {  	[smem:s5], [sflag:s4] =	dma.local [hbm:s2], $0x1  }
0x93: {  	_ =	swait.eq [sflag:s4], $0x1  }
0x94: {  	[sflag:s4] =	ssyncset.done $0x0  }
0x95: {  	[sflag:s4] =	ssyncadd.s32 $0xFFFFFFFF  }
0x96: {  	s16 =	sld [smem:$0x10];
	(tm) =	ssettm $0x1  }
0x97: {  	s17 =	sld [smem:$0x3FFB];
	_ =	sdelay $0x3  }
0x98: {  	_ =	strace s17  }
0x99: {  	s4 =	sld [smem:$0x3FFC];
	_ =	sdelay $0x3  }
0x9a: {  	_ =	strace s4  }
0x9b: {  	s4 =	sld [smem:$0x3FFD];
	_ =	sdelay $0x3  }
0x9c: {  	_ =	strace s4  }
0x9d: {  	_ =	strace $0x8FFFFFFF  }
0x9e: {  	s18 =	sld [smem:$0x3FDB];
	_ =	sdelay $0x1  }
0x9f: {  	s19 =	simm.s32 $_scs_section_size  }
0xa0: {  	s6 =	simm.s32 $_size__tile_overlayer_lowered;
	s7 =	simm.s32 $_tile_overlayer_lowered  }
0xa1: {  	s22 =	simm.s32 $0x1BFF;
	s21 =	sshll.u32 s7, $0x1;
	s4 =	sadd.s32 s19, s18  }
0xa2: {  	s8 =	simm.s32 $0x0;
	s20 =	sshll.u32 s6, $0x1;
	s6 =	sadd.s32 s21, s4  }
0xa3: {  	[timem:s8], [sflag:s22] =	dma.local [hbm:s6], s20  }
0xa4: {  	_ =	swait.ge [sflag:s22], s20  }
0xa5: {  	s5 =	ssub.s32 $0x0, s20;
	[sflag:s22] =	ssyncset.done $0x0  }
0xa6: {  	[sflag:s22] =	ssyncadd.s32 s5;
	_ =	sdelay $0x1  }
0xa7: {  	s23 =	simm.s32 $0x1B8B  }
0xa8: {  	_ =	swait.ge [sflag:s23], $0x1  }
0xa9: {  	[sflag:s23] =	ssyncset.done $0x0  }
0xaa: {  	s25 =	simm.s32 $0x1B8E;
	s24 =	sld [smem:$0x3FFE];
	[sflag:s23] =	ssyncadd.s32 $0xFFFFFFFF  }
0xab: {  	s26 =	simm.s32 $execute0_lowered;
	[smem:$0x3FD2] =	sst s25  }
0xac: {  	s6 =	sshll.u32 s26, $0x1;
	_ =	strace $0x80000046;
	[dreg:$0x1] =	wrdreg $0xFFFFFFFF  }
0xad: {  	s28 =	simm.s32 $_size_execute0_lowered;
	s4 =	sadd.s32 s4, s6;
	[dreg:$0x0] =	wrdreg $0x0  }
0xae: {  	s6 =	sshll.u32 s28, $0x1;
	[dreg:$0x2] =	wrdreg s4  }
0xaf: {  	[dreg:$0x3] =	wrdreg s6  }
0xb0: {  	[dreg:$0x4] =	wrdreg $0xC0  }
0xb1: {  	_ =	task [dreg:s8], $0x5FFFF  }
0xb2: {  	[dreg:$0x1] =	wrdreg $0xFFFFFFFF  }
0xb3: {  	[dreg:$0x0] =	wrdreg $0x60  }
0xb4: {  	[dreg:$0x2] =	wrdreg s24  }
0xb5: {  	[dreg:$0x3] =	wrdreg s15  }
0xb6: {  	[dreg:$0x4] =	wrdreg s16  }
0xb7: {  	[dreg:$0x5] =	wrdreg $0x9  }
0xb8: {  	_ =	task.clear_ibuf [dreg:s8], $0x6FFFF;
	_ =	strace $0x90000046  }
0xb9: {  	s29 =	simm.s32 $0x9;
	_ =	strace $0x80000048  }
0xba: {  	_ =	swait.ge [sflag:s29], $0x1  }
0xbb: {  	[sflag:s29] =	ssyncadd.s32 $0xFFFFFFFF  }
0xbc: {  	_ =	strace $0x90000048  }
0xbd: {  	_ =	sfence  }
0xbe: {  	s30 =	sld [smem:$0x0];
	_ =	sdelay $0x2  }
0xbf: {  	s31 =	sshll.u32 s1, $0xD;
	s1 =	sshrl.u32 s1, $0x2  }
0xc0: {  	s3 =	sand.u32 $0x4000, s31;
	s1 =	sadd.s32 s1, s30  }
0xc1: {  	s0 =	sor.u32 s3, s0;
	s1 =	sshll.u32 s1, $0x11  }
0xc2: {  	s0 =	sor.u32 s1, s0  }
0xc3: {  	s0 =	sadd.s32 $0x8F2B, s0  }
0xc4: {  	[sflag:s0] =	ssyncadd.remote.s32 $0x1  }
0xc5: {  	_ =	sfence.sel $0xFFFF  }
0xc6: {  	[dreg:$0x0] =	wrdreg $0xFFFFFFFF;
	(pc) =	sbr.abs _section_cstart, $3  }
0xc7: {  	[dreg:$0x1] =	wrdreg $0xFFFFFFFF  }
0xc8: {  	_ =	task.clear_ibuf [dreg:s8], $0x2FFFF;
	_ =	strace $0x9FFFFFFF  }
0xc9: {  	(tm) =	ssettm $0x7FFFFFFF  }
tec
execute0_lowered:
.L_overlay_start_1:
0x0: {  	(tag) =	ssettag $0x1  }
0x1: {  	s0 =	rddreg [dreg:$0x0]  }
0x2: {  	s1 =	srdreg.scid;
	s3 =	stileid.u32  }
0x3: {  	s2 =	rddreg [dreg:$0x1];
	s29 =	simm.s32 $0x0;
	s8 =	simm.s32 $0xB  }
0x4: {  	s9 =	simm.s32 $0x1;
	s10 =	simm.s32 $0x80;
	s11 =	simm.s32 $0x3500  }
0x5: {  	s12 =	simm.s32 $0x7500;
	s14 =	simm.s32 $0xB500;
	s16 =	simm.s32 $0xF500  }
0x6: {  	s18 =	simm.s32 $0x13500;
	s19 =	simm.s32 $0x6;
	s20 =	simm.s32 $0x2  }
0x7: {  	s21 =	simm.s32 $0x7;
	s22 =	simm.s32 $0x3;
	s23 =	simm.s32 $0x8  }
0x8: {  	s24 =	simm.s32 $0x4;
	s1 =	sand.u32 $0x1, s1;
	s4 =	sshll.u32 s3, $0x1  }
0x9: {  	s25 =	simm.s32 $0x9;
	s5 =	sor.u32 s1, s4;
	s1 =	ssub.s32 $0x2, s1  }
0xa: {  	s26 =	simm.s32 $0x5;
	s6 =	smul.u32 $0x320, s5;
	s30 =	sshrl.u32 s1, $0x1  }
0xb: {  	s28 =	simm.s32 $0xA;
	s3 =	rddreg [dreg:$0x2];
	s1 =	ssub.s32 s1, s30  }
0xc: {  	[smem:$0x7FF] =	sst s29;
	s0 =	sadd.s32 s6, s0;
	s31 =	smax.u32 s1, $0x1  }
0xd: {  	_ =	strace $0x80000047;
	s0 =	sadd.s32 $0x800, s0;
	[dreg:$0x5] =	wrdreg s31  }
0xe: {  	v0 =	vlaneseq.u32;
	v1 =	vimm.s32 $0x0;
	s13 =	simm.s32 $0x0;
	s5 =	sshll.u32 s5, $0x7;
	[dreg:$0x4] =	wrdreg s0  }
.LBB2_1:
0xf: {  	s0 =	simm.s32 $0x0;
	s1 =	rddreg [dreg:$0x4]  }
0x10: {  	[tilespmem:s0], [sflag:$0xB] =	stream.linear.gather [hbm4b:s1+s0], $0x1900, $0x38;
	[tilespmem:$0x17500] =	vst v63  }
0x11: {  	p2 =	por $0x0, $0x0;
	s1 =	simm.s32 $0xFFFFFFCE  }
0x12: {  	s1 =	simm.s32 @!p2 $0x0  }
0x13: {  	s1 =	sadd.s32 $0x10, s1  }
0x14: {  	s15 =	sadd.s32 $0x10, s1  }
0x15: {  	s17 =	simm.s32 $0xFFFFFFCE;
	p1 =	sgt.s32 s15, $0x31  }
0x16: {  	s17 =	simm.s32 @!p1 $0x0  }
0x17: {  	s15 =	sadd.s32 s15, s17  }
0x18: {  	v2 =	vadd.s32 s0, v0;
	s17 =	sadd.s32 $0x10, s15  }
0x19: {  	s29 =	simm.s32 $0xFFFFFFCE;
	vm0 =	vgt.s32 v2, $0x31;
	p0 =	sgt.s32 s17, $0x31  }
0x1a: {  	s30 =	simm.s32 $0x1;
	v3 =	vsel vm0, $0xFFFCE, v1;
	s29 =	simm.s32 @!p0 $0x0  }
0x1b: {  	s31 =	sadd.s32 $0x0, s5;
	s30 =	simm.s32 @!p2 $0x0;
	v4 =	vsel vm0, $0x1, v1;
	v2 =	vadd.s32 v2, v3;
	v3 =	vadd.s32 s1, v0;
	s1 =	sadd.s32 s17, s29  }
0x1c: {  	s7 =	sadd.s32 $0x0, s30;
	v4 =	vadd.s32 s31, v4;
	v2 =	vshll.u32 v2, $0xC;
	vm0 =	vgt.s32 v3, $0x31;
	s29 =	simm.s32 $0x1;
	s30 =	sadd.s32 $0x10, s1  }
0x1d: {  	s31 =	simm.s32 $0xFFFFFFCE;
	v2 =	vadd.s32 v2, v4;
	v4 =	vsel vm0, $0xFFFCE, v1;
	s29 =	simm.s32 @!p1 $0x0;
	p1 =	sgt.s32 s30, $0x31  }
0x1e: {  	_ =	swait.ge [sflag:s8], $0x1900;
	s4 =	sadd.s32 s5, s7;
	v5 =	vsel vm0, $0x1, v1;
	v3 =	vadd.s32 v3, v4;
	v4 =	vadd.s32 s15, v0;
	s31 =	simm.s32 @!p1 $0x0  }
0x1f: {  	v5 =	vadd.s32 s4, v5;
	s15 =	simm.s32 $0x1;
	v3 =	vshll.u32 v3, $0xC;
	vm0 =	vgt.s32 v4, $0x31;
	s6 =	sadd.s32 s29, s7;
	s7 =	sadd.s32 s30, s31  }
0x20: {  	[sflag:s8] =	ssyncset.done $0x0;
	v3 =	vadd.s32 v3, v5;
	s15 =	simm.s32 @!p0 $0x0;
	v5 =	vsel vm0, $0xFFFCE, v1;
	v6 =	vadd.s32 s1, v0;
	s30 =	sadd.s32 $0x10, s7  }
0x21: {  	v7 =	vsel vm0, $0x1, v1;
	v4 =	vadd.s32 v4, v5;
	s1 =	simm.s32 $0x1;
	vm0 =	vgt.s32 v6, $0x31;
	s31 =	simm.s32 $0xFFFFFFCE;
	p0 =	sgt.s32 s30, $0x31  }
0x22: {  	v4 =	vshll.u32 v4, $0xC;
	s29 =	sadd.s32 s5, s6;
	s0 =	sadd.s32 s15, s6;
	v55 =	vsel vm0, $0xFFFCE, v1;
	v8 =	vsel vm0, $0x1, v1;
	s31 =	simm.s32 @!p0 $0x0  }
0x23: {  	s1 =	simm.s32 @!p1 $0x0;
	v5 =	vadd.s32 s29, v7;
	s15 =	sadd.s32 s5, s0;
	v6 =	vadd.s32 v6, v55;
	v56 =	vadd.s32 s7, v0;
	s4 =	sadd.s32 s30, s31  }
0x24: {  	s0 =	sadd.s32 s1, s0;
	s1 =	simm.s32 $0x1;
	v8 =	vadd.s32 s15, v8;
	v6 =	vshll.u32 v6, $0xC;
	vm0 =	vgt.s32 v56, $0x31;
	s29 =	sadd.s32 $0x10, s4  }
0x25: {  	v4 =	vadd.s32 v4, v5;
	v5 =	vadd.s32 v6, v8;
	v57 =	vsel vm0, $0xFFFCE, v1;
	s1 =	simm.s32 @!p0 $0x0;
	s30 =	simm.s32 $0xFFFFFFCE;
	p0 =	sgt.s32 s29, $0x31  }
0x26: {  	[sflag:s8] =	ssyncadd.s32 $0xFFFFE700;
	v58 =	vsel vm0, $0x1, v1;
	s31 =	sadd.s32 s5, s0;
	v6 =	vadd.s32 v56, v57;
	v59 =	vadd.s32 s4, v0;
	s30 =	simm.s32 @!p0 $0x0  }
0x27: {  	s15 =	simm.s32 $0x0;
	s0 =	sadd.s32 s1, s0;
	v8 =	vadd.s32 s31, v58;
	v6 =	vshll.u32 v6, $0xC;
	vm0 =	vgt.s32 v59, $0x31;
	s6 =	sadd.s32 s29, s30  }
0x28: {  	[tilespmem:s15+$0x1900] =	vst v2;
	s7 =	sadd.s32 s5, s0;
	v2 =	vadd.s32 v6, v8;
	v60 =	vsel vm0, $0xFFFCE, v1;
	s29 =	simm.s32 $0x1;
	v61 =	vadd.s32 s6, v0;
	s1 =	sadd.s32 $0x10, s6  }
0x29: {  	[tilespmem:s15+$0x1910] =	vst v3;
	v62 =	vsel vm0, $0x1, v1;
	v3 =	vadd.s32 v59, v60;
	s30 =	simm.s32 $0xFFFFFFCE;
	s29 =	simm.s32 @!p0 $0x0;
	vm0 =	vgt.s32 v61, $0x31;
	p0 =	sgt.s32 s1, $0x31  }
0x2a: {  	[tilespmem:s15+$0x1920] =	vst v4;
	v4 =	vadd.s32 s7, v62;
	v3 =	vshll.u32 v3, $0xC;
	s0 =	sadd.s32 s29, s0;
	s29 =	simm.s32 $0x1;
	v63 =	vsel vm0, $0xFFFCE, v1;
	s30 =	simm.s32 @!p0 $0x0  }
0x2b: {  	[tilespmem:s15+$0x1930] =	vst v5;
	v4 =	vadd.s32 v3, v4;
	s31 =	sadd.s32 s5, s0;
	v5 =	vsel vm0, $0x1, v1;
	s29 =	simm.s32 @!p0 $0x0;
	v3 =	vadd.s32 v61, v63;
	s1 =	sadd.s32 s1, s30  }
0x2c: {  	s17 =	simm.s32 $0x200;
	[tilespmem:s15+$0x1940] =	vst v2;
	v2 =	vadd.s32 s31, v5;
	s31 =	sadd.s32 s29, s0;
	v5 =	vshll.u32 v3, $0xC;
	v3 =	vadd.s32 s1, v0;
	s1 =	sadd.s32 $0x10, s1  }
0x2d: {  	[tilespmem:s15+$0x1950] =	vst v4;
	s29 =	simm.s32 $0x400;
	s30 =	sadd.s32 s5, s31;
	v2 =	vadd.s32 v5, v2;
	vm0 =	vgt.s32 v3, $0x31;
	p1 =	sgt.s32 s1, $0x31  }
.LBB2_2:
0x2e: {  	s0 =	simm.s32 $0x1;
	s4 =	simm.s32 $0xFFFFFFCE  }
0x2f: {  	p0 =	sne.s32 s29, $0x6200;
	[tilespmem:s15+$0x1960] =	vst v2;
	v2 =	vsel vm0, $0x1, v1;
	v4 =	vsel vm0, $0xFFFCE, v1;
	s0 =	simm.s32 @!p1 $0x0;
	s4 =	simm.s32 @!p1 $0x0  }
0x30: {  	v3 =	vadd.s32 v3, v4;
	v2 =	vadd.s32 s30, v2;
	s0 =	sadd.s32 s0, s31;
	s1 =	sadd.s32 s1, s4  }
0x31: {  	v3 =	vshll.u32 v3, $0xC;
	v4 =	vadd.s32 s1, v0;
	s4 =	sadd.s32 s5, s0;
	s1 =	sadd.s32 $0x10, s1  }
0x32: {  	s30 =	simm.s32 $0x1;
	s31 =	simm.s32 $0xFFFFFFCE;
	v2 =	vadd.s32 v3, v2;
	vm0 =	vgt.s32 v4, $0x31;
	p1 =	sgt.s32 s1, $0x31  }
0x33: {  	v3 =	vsel vm0, $0x1, v1;
	v5 =	vsel vm0, $0xFFFCE, v1;
	s30 =	simm.s32 @!p1 $0x0;
	s31 =	simm.s32 @!p1 $0x0;
	[tilespmem:s15+$0x1970] =	vst v2  }
0x34: {  	s15 =	sshra.s32 s17, $0x2;
	v2 =	vadd.s32 v4, v5;
	v3 =	vadd.s32 s4, v3;
	s0 =	sadd.s32 s30, s0;
	s1 =	sadd.s32 s1, s31  }
0x35: {  	s17 =	smov.u32 s29;
	v2 =	vshll.u32 v2, $0xC;
	v4 =	vadd.s32 s1, v0;
	s4 =	sadd.s32 s5, s0;
	s1 =	sadd.s32 $0x10, s1  }
0x36: {  	s30 =	simm.s32 $0x1;
	s31 =	simm.s32 $0xFFFFFFCE;
	v2 =	vadd.s32 v2, v3;
	vm0 =	vgt.s32 v4, $0x31;
	p1 =	sgt.s32 s1, $0x31  }
0x37: {  	[tilespmem:s15+$0x1900] =	vst v2;
	v2 =	vsel vm0, $0x1, v1;
	v3 =	vsel vm0, $0xFFFCE, v1;
	s30 =	simm.s32 @!p1 $0x0;
	s31 =	simm.s32 @!p1 $0x0  }
0x38: {  	v3 =	vadd.s32 v4, v3;
	v2 =	vadd.s32 s4, v2;
	s0 =	sadd.s32 s30, s0;
	s1 =	sadd.s32 s1, s31  }
0x39: {  	v3 =	vshll.u32 v3, $0xC;
	v4 =	vadd.s32 s1, v0;
	s4 =	sadd.s32 s5, s0;
	s1 =	sadd.s32 $0x10, s1  }
0x3a: {  	s30 =	simm.s32 $0x1;
	s31 =	simm.s32 $0xFFFFFFCE;
	v2 =	vadd.s32 v3, v2;
	vm0 =	vgt.s32 v4, $0x31;
	p1 =	sgt.s32 s1, $0x31  }
0x3b: {  	[tilespmem:s15+$0x1910] =	vst v2;
	v2 =	vsel vm0, $0x1, v1;
	v3 =	vsel vm0, $0xFFFCE, v1;
	s30 =	simm.s32 @!p1 $0x0;
	s31 =	simm.s32 @!p1 $0x0  }
0x3c: {  	v3 =	vadd.s32 v4, v3;
	v2 =	vadd.s32 s4, v2;
	s0 =	sadd.s32 s30, s0;
	s1 =	sadd.s32 s1, s31  }
0x3d: {  	v3 =	vshll.u32 v3, $0xC;
	v4 =	vadd.s32 s1, v0;
	s4 =	sadd.s32 s5, s0;
	s1 =	sadd.s32 $0x10, s1  }
0x3e: {  	s30 =	simm.s32 $0x1;
	s31 =	simm.s32 $0xFFFFFFCE;
	v2 =	vadd.s32 v3, v2;
	vm0 =	vgt.s32 v4, $0x31;
	p1 =	sgt.s32 s1, $0x31  }
0x3f: {  	[tilespmem:s15+$0x1920] =	vst v2;
	v2 =	vsel vm0, $0x1, v1;
	v3 =	vsel vm0, $0xFFFCE, v1;
	s30 =	simm.s32 @!p1 $0x0;
	s31 =	simm.s32 @!p1 $0x0  }
0x40: {  	v3 =	vadd.s32 v4, v3;
	v2 =	vadd.s32 s4, v2;
	s0 =	sadd.s32 s30, s0;
	s1 =	sadd.s32 s1, s31  }
0x41: {  	v3 =	vshll.u32 v3, $0xC;
	v4 =	vadd.s32 s1, v0;
	s4 =	sadd.s32 s5, s0;
	s1 =	sadd.s32 $0x10, s1  }
0x42: {  	s30 =	simm.s32 $0x1;
	s31 =	simm.s32 $0xFFFFFFCE;
	v2 =	vadd.s32 v3, v2;
	vm0 =	vgt.s32 v4, $0x31;
	p1 =	sgt.s32 s1, $0x31  }
0x43: {  	[tilespmem:s15+$0x1930] =	vst v2;
	v2 =	vsel vm0, $0x1, v1;
	v3 =	vsel vm0, $0xFFFCE, v1;
	s30 =	simm.s32 @!p1 $0x0;
	s31 =	simm.s32 @!p1 $0x0  }
0x44: {  	v3 =	vadd.s32 v4, v3;
	v2 =	vadd.s32 s4, v2;
	s0 =	sadd.s32 s30, s0;
	s1 =	sadd.s32 s1, s31  }
0x45: {  	v3 =	vshll.u32 v3, $0xC;
	v4 =	vadd.s32 s1, v0;
	s4 =	sadd.s32 s5, s0;
	s1 =	sadd.s32 $0x10, s1  }
0x46: {  	s30 =	simm.s32 $0x1;
	s31 =	simm.s32 $0xFFFFFFCE;
	v2 =	vadd.s32 v3, v2;
	vm0 =	vgt.s32 v4, $0x31;
	p1 =	sgt.s32 s1, $0x31  }
0x47: {  	[tilespmem:s15+$0x1940] =	vst v2;
	v2 =	vsel vm0, $0x1, v1;
	v3 =	vsel vm0, $0xFFFCE, v1;
	s30 =	simm.s32 @!p1 $0x0;
	s31 =	simm.s32 @!p1 $0x0  }
0x48: {  	v3 =	vadd.s32 v4, v3;
	v2 =	vadd.s32 s4, v2;
	s0 =	sadd.s32 s30, s0;
	s1 =	sadd.s32 s1, s31  }
0x49: {  	s6 =	simm.s32 $0xFFFFFFCE;
	v3 =	vshll.u32 v3, $0xC;
	v4 =	vadd.s32 s1, v0;
	s4 =	sadd.s32 s5, s0;
	s1 =	sadd.s32 $0x10, s1  }
.Ltmp0:
0x4a: {  	s30 =	simm.s32 $0x1;
	v2 =	vadd.s32 v3, v2;
	vm0 =	vgt.s32 v4, $0x31;
	p1 =	sgt.s32 s1, $0x31;
	(pc) =	sbr.rel @p0 .LBB2_2-.Ltmp0, $4  }
0x4b: {  	[tilespmem:s15+$0x1950] =	vst v2;
	v2 =	vsel vm0, $0x1, v1;
	v3 =	vsel vm0, $0xFFFCE, v1;
	s30 =	simm.s32 @!p1 $0x0;
	s6 =	simm.s32 @!p1 $0x0  }
0x4c: {  	v3 =	vadd.s32 v4, v3;
	v2 =	vadd.s32 s4, v2;
	s31 =	sadd.s32 s30, s0;
	s0 =	sadd.s32 s1, s6  }
0x4d: {  	v4 =	vshll.u32 v3, $0xC;
	v3 =	vadd.s32 s0, v0;
	s30 =	sadd.s32 s5, s31;
	s1 =	sadd.s32 $0x10, s0  }
0x4e: {  	s29 =	sadd.s32 $0x200, s29;
	v2 =	vadd.s32 v4, v2;
	vm0 =	vgt.s32 v3, $0x31;
	p1 =	sgt.s32 s1, $0x31  }
0x4f: {  	s0 =	simm.s32 $0xFFFFFFCE  }
0x50: {  	s0 =	simm.s32 @!p1 $0x0  }
0x51: {  	s0 =	sadd.s32 s1, s0  }
0x52: {  	s1 =	sadd.s32 $0x10, s0  }
0x53: {  	s4 =	simm.s32 $0xFFFFFFCE;
	p3 =	sgt.s32 s1, $0x31  }
0x54: {  	s4 =	simm.s32 @!p3 $0x0  }
0x55: {  	s1 =	sadd.s32 s1, s4  }
0x56: {  	s4 =	sadd.s32 $0x10, s1  }
0x57: {  	s6 =	simm.s32 $0xFFFFFFCE;
	p2 =	sgt.s32 s4, $0x31  }
0x58: {  	s6 =	simm.s32 @!p2 $0x0  }
0x59: {  	s4 =	sadd.s32 s4, s6  }
0x5a: {  	s29 =	simm.s32 $0x1;
	s6 =	sadd.s32 $0x10, s4  }
0x5b: {  	s7 =	simm.s32 $0xFFFFFFCE;
	s29 =	simm.s32 @!p1 $0x0;
	p0 =	sgt.s32 s6, $0x31  }
0x5c: {  	v6 =	vsel vm0, $0x1, v1;
	v9 =	vsel vm0, $0xFFFCE, v1;
	s29 =	sadd.s32 s29, s31;
	v4 =	vadd.s32 s0, v0;
	s7 =	simm.s32 @!p0 $0x0  }
0x5d: {  	v6 =	vadd.s32 s30, v6;
	v3 =	vadd.s32 v3, v9;
	s0 =	sadd.s32 s5, s29;
	vm1 =	vgt.s32 v4, $0x31;
	s6 =	sadd.s32 s6, s7  }
0x5e: {  	v3 =	vshll.u32 v3, $0xC;
	v10 =	vsel vm1, $0xFFFCE, v1;
	v5 =	vadd.s32 s1, v0;
	s1 =	simm.s32 $0xFFFFFFCE;
	s7 =	simm.s32 $0x1;
	s31 =	sadd.s32 $0x10, s6  }
0x5f: {  	v7 =	vsel vm1, $0x1, v1;
	v4 =	vadd.s32 v4, v10;
	v45 =	vadd.s32 s4, v0;
	s4 =	simm.s32 $0x1;
	s7 =	simm.s32 @!p3 $0x0;
	p1 =	sgt.s32 s31, $0x31  }
0x60: {  	v7 =	vadd.s32 s0, v7;
	v4 =	vshll.u32 v4, $0xC;
	vm2 =	vgt.s32 v5, $0x31;
	s7 =	sadd.s32 s7, s29;
	s29 =	simm.s32 $0x1;
	s1 =	simm.s32 @!p1 $0x0  }
0x61: {  	v3 =	vadd.s32 v3, v6;
	v4 =	vadd.s32 v4, v7;
	v8 =	vsel vm2, $0x1, v1;
	s4 =	simm.s32 @!p0 $0x0;
	s29 =	simm.s32 @!p2 $0x0;
	s0 =	sadd.s32 s31, s1  }
0x62: {  	v12 =	vsel vm2, $0xFFFCE, v1;
	vm10 =	vgt.s32 v45, $0x31;
	v11 =	vadd.s32 s6, v0;
	s6 =	simm.s32 $0xFFFFFFCE;
	s31 =	sadd.s32 s29, s7;
	s29 =	sadd.s32 $0x10, s0  }
0x63: {  	v5 =	vadd.s32 v5, v12;
	v15 =	vsel vm10, $0xFFFCE, v1;
	s30 =	sadd.s32 s5, s7;
	v13 =	vadd.s32 s0, v0;
	s0 =	simm.s32 $0x1;
	p2 =	sgt.s32 s29, $0x31  }
0x64: {  	[tilespmem:s15+$0x1960] =	vst v2;
	v5 =	vshll.u32 v5, $0xC;
	v14 =	vsel vm10, $0x1, v1;
	v2 =	vadd.s32 v45, v15;
	s4 =	sadd.s32 s4, s31;
	s1 =	sadd.s32 s5, s31;
	s6 =	simm.s32 @!p2 $0x0  }
0x65: {  	v2 =	vshll.u32 v2, $0xC;
	vm11 =	vgt.s32 v11, $0x31;
	s0 =	simm.s32 @!p1 $0x0;
	v14 =	vadd.s32 s1, v14;
	s1 =	simm.s32 $0xFFFFFFCE;
	s6 =	sadd.s32 s29, s6  }
0x66: {  	v16 =	vsel vm11, $0x1, v1;
	v17 =	vsel vm11, $0xFFFCE, v1;
	v8 =	vadd.s32 s30, v8;
	s0 =	sadd.s32 s0, s4;
	s4 =	sadd.s32 s5, s4;
	s31 =	sadd.s32 $0x10, s6  }
0x67: {  	v53 =	vadd.s32 v11, v17;
	v5 =	vadd.s32 v5, v8;
	s30 =	sadd.s32 s5, s0;
	v47 =	vadd.s32 s6, v0;
	s6 =	simm.s32 $0x1;
	p0 =	sgt.s32 s31, $0x31  }
0x68: {  	v55 =	vshll.u32 v53, $0xC;
	vm12 =	vgt.s32 v13, $0x31;
	v16 =	vadd.s32 s4, v16;
	s4 =	simm.s32 $0x1;
	s6 =	simm.s32 @!p2 $0x0;
	s1 =	simm.s32 @!p0 $0x0  }
0x69: {  	v18 =	vsel vm12, $0x1, v1;
	v48 =	vsel vm12, $0xFFFCE, v1;
	vm13 =	vgt.s32 v47, $0x31;
	s0 =	sadd.s32 s6, s0;
	s4 =	simm.s32 @!p0 $0x0;
	s1 =	sadd.s32 s31, s1  }
0x6a: {  	v2 =	vadd.s32 v2, v14;
	v50 =	vsel vm13, $0x1, v1;
	s4 =	sadd.s32 s4, s0;
	s0 =	sadd.s32 s5, s0;
	v49 =	vadd.s32 s1, v0;
	s1 =	sadd.s32 $0x10, s1  }
0x6b: {  	[tilespmem:s15+$0x1970] =	vst v3;
	v3 =	vadd.s32 v13, v48;
	v19 =	vsel vm13, $0xFFFCE, v1;
	v51 =	vadd.s32 s0, v50;
	s0 =	simm.s32 $0xFFFFFFCE;
	p0 =	sgt.s32 s1, $0x31  }
0x6c: {  	s15 =	sshra.s32 s17, $0x2;
	v46 =	vadd.s32 s30, v18;
	v3 =	vshll.u32 v3, $0xC;
	v57 =	vadd.s32 v47, v19;
	s0 =	simm.s32 @!p0 $0x0  }
0x6d: {  	[tilespmem:s15+$0x1920] =	vst v2;
	v56 =	vadd.s32 v55, v16;
	v3 =	vadd.s32 v3, v46;
	v2 =	vshll.u32 v57, $0xC;
	s0 =	sadd.s32 s1, s0  }
0x6e: {  	[tilespmem:s15+$0x1900] =	vst v4;
	vm14 =	vgt.s32 v49, $0x31;
	v2 =	vadd.s32 v2, v51;
	v58 =	vadd.s32 s0, v0;
	s0 =	simm.s32 $0x1  }
0x6f: {  	[tilespmem:s15+$0x1910] =	vst v5;
	s7 =	sadd.s32 s5, s4;
	v52 =	vsel vm14, $0x1, v1;
	v59 =	vsel vm14, $0xFFFCE, v1;
	s0 =	simm.s32 @!p0 $0x0;
	vm15 =	vgt.s32 v58, $0x31  }
0x70: {  	[tilespmem:s15+$0x1930] =	vst v56;
	v54 =	vadd.s32 s7, v52;
	v60 =	vadd.s32 v49, v59;
	s0 =	sadd.s32 s0, s4;
	v61 =	vsel vm15, $0xFFFCE, v1  }
0x71: {  	[tilespmem:s15+$0x1940] =	vst v3;
	v4 =	vshll.u32 v60, $0xC;
	v62 =	vsel vm15, $0x1, v1;
	v3 =	vadd.s32 v58, v61;
	s0 =	sadd.s32 s5, s0  }
0x72: {  	[tilespmem:s15+$0x1950] =	vst v2;
	v2 =	vadd.s32 v4, v54;
	v63 =	vadd.s32 s0, v62;
	v3 =	vshll.u32 v3, $0xC  }
0x73: {  	[tilespmem:s15+$0x1960] =	vst v2;
	v2 =	vadd.s32 v3, v63  }
0x74: {  	s17 =	simm.s32 $0x0;
	[tilespmem:s15+$0x1970] =	vst v2  }
0x75: {  	[tilespmem:s11], [sflag:$0x1] =	stream.indirect.gather [hbm4b:s2+s10], $0x80, s17, s10, $0xb8;
	[tilespmem:$0x17500] =	vst v63  }
0x76: {  	_ = 	snop  }
0x77: {  	[tilespmem:s12], [sflag:$0x2] =	stream.indirect.gather [hbm4b:s2+s10], $0x80, s10, s10, $0xb8;
	[tilespmem:$0x17500] =	vst v63  }
0x78: {  	s29 =	simm.s32 $0x100  }
0x79: {  	[tilespmem:s14], [sflag:$0x3] =	stream.indirect.gather [hbm4b:s2+s10], $0x80, s29, s10, $0xb8;
	[tilespmem:$0x17500] =	vst v63  }
0x7a: {  	s30 =	simm.s32 $0x180  }
0x7b: {  	[tilespmem:s16], [sflag:$0x4] =	stream.indirect.gather [hbm4b:s2+s10], $0x80, s30, s10, $0xb8;
	[tilespmem:$0x17500] =	vst v63  }
0x7c: {  	s31 =	simm.s32 $0x200  }
0x7d: {  	[tilespmem:s18], [sflag:$0x5] =	stream.indirect.gather [hbm4b:s2+s10], $0x80, s31, s10, $0xb8;
	[tilespmem:$0x17500] =	vst v63  }
0x7e: {  	_ =	swait.ge [sflag:s9], $0x4000  }
0x7f: {  	[sflag:s9] =	ssyncset.done $0x0  }
0x80: {  	s1 =	simm.s32 $0x1900;
	[sflag:s9] =	ssyncadd.s32 $0xFFFFC000  }
0x81: {  	[hbm4b:s3+s10] =	stream.indirect.scatter [tilespmem:s11], [sflag:$0x6], $0x80, s1, s10, $0xb8;
	[tilespmem:$0x17500] =	vst v63  }
0x82: {  	_ =	swait.ge [sflag:s19], $0x4000  }
0x83: {  	[sflag:s19] =	ssyncset.done $0x0  }
0x84: {  	s4 =	simm.s32 $0x280;
	[sflag:s19] =	ssyncadd.s32 $0xFFFFC000  }
0x85: {  	[tilespmem:s11], [sflag:$0x1] =	stream.indirect.gather [hbm4b:s2+s10], $0x80, s4, s10, $0xb8;
	[tilespmem:$0x17500] =	vst v63  }
0x86: {  	_ =	swait.ge [sflag:s20], $0x4000  }
0x87: {  	[sflag:s20] =	ssyncset.done $0x0  }
0x88: {  	s6 =	simm.s32 $0x1980;
	[sflag:s20] =	ssyncadd.s32 $0xFFFFC000  }
0x89: {  	[hbm4b:s3+s10] =	stream.indirect.scatter [tilespmem:s12], [sflag:$0x7], $0x80, s6, s10, $0xb8;
	[tilespmem:$0x17500] =	vst v63  }
0x8a: {  	_ =	swait.ge [sflag:s21], $0x4000  }
0x8b: {  	[sflag:s21] =	ssyncset.done $0x0  }
0x8c: {  	s7 =	simm.s32 $0x300;
	[sflag:s21] =	ssyncadd.s32 $0xFFFFC000  }
0x8d: {  	[tilespmem:s12], [sflag:$0x2] =	stream.indirect.gather [hbm4b:s2+s10], $0x80, s7, s10, $0xb8;
	[tilespmem:$0x17500] =	vst v63  }
0x8e: {  	_ =	swait.ge [sflag:s22], $0x4000  }
0x8f: {  	[sflag:s22] =	ssyncset.done $0x0  }
0x90: {  	s15 =	simm.s32 $0x1A00;
	[sflag:s22] =	ssyncadd.s32 $0xFFFFC000  }
0x91: {  	[hbm4b:s3+s10] =	stream.indirect.scatter [tilespmem:s14], [sflag:$0x8], $0x80, s15, s10, $0xb8;
	[tilespmem:$0x17500] =	vst v63  }
0x92: {  	_ =	swait.ge [sflag:s23], $0x4000  }
0x93: {  	[sflag:s23] =	ssyncset.done $0x0  }
0x94: {  	s17 =	simm.s32 $0x380;
	[sflag:s23] =	ssyncadd.s32 $0xFFFFC000  }
0x95: {  	[tilespmem:s14], [sflag:$0x3] =	stream.indirect.gather [hbm4b:s2+s10], $0x80, s17, s10, $0xb8;
	[tilespmem:$0x17500] =	vst v63  }
0x96: {  	_ =	swait.ge [sflag:s24], $0x4000  }
0x97: {  	[sflag:s24] =	ssyncset.done $0x0  }
0x98: {  	s29 =	simm.s32 $0x1A80;
	[sflag:s24] =	ssyncadd.s32 $0xFFFFC000  }
0x99: {  	[hbm4b:s3+s10] =	stream.indirect.scatter [tilespmem:s16], [sflag:$0x9], $0x80, s29, s10, $0xb8;
	[tilespmem:$0x17500] =	vst v63  }
0x9a: {  	_ =	swait.ge [sflag:s25], $0x4000  }
0x9b: {  	[sflag:s25] =	ssyncset.done $0x0  }
0x9c: {  	s30 =	simm.s32 $0x400;
	[sflag:s25] =	ssyncadd.s32 $0xFFFFC000  }
0x9d: {  	[tilespmem:s16], [sflag:$0x4] =	stream.indirect.gather [hbm4b:s2+s10], $0x80, s30, s10, $0xb8;
	[tilespmem:$0x17500] =	vst v63  }
0x9e: {  	_ =	swait.ge [sflag:s26], $0x4000  }
0x9f: {  	[sflag:s26] =	ssyncset.done $0x0  }
0xa0: {  	s31 =	simm.s32 $0x1B00;
	[sflag:s26] =	ssyncadd.s32 $0xFFFFC000  }
0xa1: {  	[hbm4b:s3+s10] =	stream.indirect.scatter [tilespmem:s18], [sflag:$0xA], $0x80, s31, s10, $0xb8;
	[tilespmem:$0x17500] =	vst v63  }
0xa2: {  	_ =	swait.ge [sflag:s28], $0x4000  }
0xa3: {  	[sflag:s28] =	ssyncset.done $0x0  }
0xa4: {  	s1 =	simm.s32 $0x480;
	s15 =	simm.s32 $0xA00;
	[sflag:s28] =	ssyncadd.s32 $0xFFFFC000  }
.LBB2_4:
0xa5: {  	[tilespmem:s18], [sflag:$0x5] =	stream.indirect.gather [hbm4b:s2+s10], $0x80, s1, s10, $0xb8;
	[tilespmem:$0x17500] =	vst v63  }
0xa6: {  	s0 =	smov.u32 s15  }
0xa7: {  	p0 =	sne.s32 s15, $0x5000;
	s15 =	sadd.s32 $0xA00, s15;
	_ =	swait.ge [sflag:s9], $0x4000  }
0xa8: {  	s17 =	sshra.s32 s0, $0x2;
	[sflag:s9] =	ssyncset.done $0x0  }
0xa9: {  	s0 =	sadd.s32 $0x1900, s17;
	[sflag:s9] =	ssyncadd.s32 $0xFFFFC000  }
0xaa: {  	[hbm4b:s3+s10] =	stream.indirect.scatter [tilespmem:s11], [sflag:$0x6], $0x80, s0, s10, $0xb8;
	[tilespmem:$0x17500] =	vst v63  }
0xab: {  	_ =	swait.ge [sflag:s19], $0x4000  }
0xac: {  	[sflag:s19] =	ssyncset.done $0x0  }
0xad: {  	s0 =	sadd.s32 $0x280, s17;
	[sflag:s19] =	ssyncadd.s32 $0xFFFFC000  }
0xae: {  	[tilespmem:s11], [sflag:$0x1] =	stream.indirect.gather [hbm4b:s2+s10], $0x80, s0, s10, $0xb8;
	[tilespmem:$0x17500] =	vst v63  }
0xaf: {  	_ =	swait.ge [sflag:s20], $0x4000  }
0xb0: {  	[sflag:s20] =	ssyncset.done $0x0  }
0xb1: {  	s0 =	sadd.s32 $0x1980, s17;
	[sflag:s20] =	ssyncadd.s32 $0xFFFFC000  }
0xb2: {  	[hbm4b:s3+s10] =	stream.indirect.scatter [tilespmem:s12], [sflag:$0x7], $0x80, s0, s10, $0xb8;
	[tilespmem:$0x17500] =	vst v63  }
0xb3: {  	_ =	swait.ge [sflag:s21], $0x4000  }
0xb4: {  	[sflag:s21] =	ssyncset.done $0x0  }
0xb5: {  	s0 =	sadd.s32 $0x300, s17;
	[sflag:s21] =	ssyncadd.s32 $0xFFFFC000  }
0xb6: {  	[tilespmem:s12], [sflag:$0x2] =	stream.indirect.gather [hbm4b:s2+s10], $0x80, s0, s10, $0xb8;
	[tilespmem:$0x17500] =	vst v63  }
0xb7: {  	_ =	swait.ge [sflag:s22], $0x4000  }
0xb8: {  	[sflag:s22] =	ssyncset.done $0x0  }
0xb9: {  	s0 =	sadd.s32 $0x1A00, s17;
	[sflag:s22] =	ssyncadd.s32 $0xFFFFC000  }
0xba: {  	[hbm4b:s3+s10] =	stream.indirect.scatter [tilespmem:s14], [sflag:$0x8], $0x80, s0, s10, $0xb8;
	[tilespmem:$0x17500] =	vst v63  }
0xbb: {  	_ =	swait.ge [sflag:s23], $0x4000  }
0xbc: {  	[sflag:s23] =	ssyncset.done $0x0  }
0xbd: {  	s0 =	sadd.s32 $0x380, s17;
	[sflag:s23] =	ssyncadd.s32 $0xFFFFC000  }
0xbe: {  	[tilespmem:s14], [sflag:$0x3] =	stream.indirect.gather [hbm4b:s2+s10], $0x80, s0, s10, $0xb8;
	[tilespmem:$0x17500] =	vst v63  }
0xbf: {  	_ =	swait.ge [sflag:s24], $0x4000  }
0xc0: {  	[sflag:s24] =	ssyncset.done $0x0  }
0xc1: {  	s0 =	sadd.s32 $0x1A80, s17;
	[sflag:s24] =	ssyncadd.s32 $0xFFFFC000  }
0xc2: {  	[hbm4b:s3+s10] =	stream.indirect.scatter [tilespmem:s16], [sflag:$0x9], $0x80, s0, s10, $0xb8;
	[tilespmem:$0x17500] =	vst v63  }
0xc3: {  	_ =	swait.ge [sflag:s25], $0x4000  }
0xc4: {  	[sflag:s25] =	ssyncset.done $0x0  }
0xc5: {  	s0 =	sadd.s32 $0x400, s17;
	[sflag:s25] =	ssyncadd.s32 $0xFFFFC000  }
0xc6: {  	[tilespmem:s16], [sflag:$0x4] =	stream.indirect.gather [hbm4b:s2+s10], $0x80, s0, s10, $0xb8;
	[tilespmem:$0x17500] =	vst v63  }
0xc7: {  	_ =	swait.ge [sflag:s26], $0x4000  }
0xc8: {  	[sflag:s26] =	ssyncset.done $0x0  }
.Ltmp1:
0xc9: {  	s0 =	sadd.s32 $0x1B00, s17;
	[sflag:s26] =	ssyncadd.s32 $0xFFFFC000;
	(pc) =	sbr.rel @p0 .LBB2_4-.Ltmp1, $4  }
0xca: {  	[hbm4b:s3+s10] =	stream.indirect.scatter [tilespmem:s18], [sflag:$0xA], $0x80, s0, s10, $0xb8;
	[tilespmem:$0x17500] =	vst v63  }
0xcb: {  	_ =	swait.ge [sflag:s28], $0x4000  }
0xcc: {  	[sflag:s28] =	ssyncset.done $0x0  }
0xcd: {  	s1 =	sadd.s32 $0x480, s17;
	[sflag:s28] =	ssyncadd.s32 $0xFFFFC000  }
0xce: {  	[tilespmem:s18], [sflag:$0x5] =	stream.indirect.gather [hbm4b:s2+s10], $0x80, s1, s10, $0xb8;
	[tilespmem:$0x17500] =	vst v63  }
0xcf: {  	_ =	swait.ge [sflag:s9], $0x4000  }
0xd0: {  	[sflag:s9] =	ssyncset.done $0x0  }
0xd1: {  	s0 =	simm.s32 $0x2F80;
	[sflag:s9] =	ssyncadd.s32 $0xFFFFC000  }
0xd2: {  	[hbm4b:s3+s10] =	stream.indirect.scatter [tilespmem:s11], [sflag:$0x6], $0x80, s0, s10, $0xb8;
	[tilespmem:$0x17500] =	vst v63  }
0xd3: {  	_ =	swait.ge [sflag:s19], $0x4000  }
0xd4: {  	[sflag:s19] =	ssyncset.done $0x0  }
0xd5: {  	[sflag:s19] =	ssyncadd.s32 $0xFFFFC000  }
0xd6: {  	_ =	swait.ge [sflag:s20], $0x4000  }
0xd7: {  	[sflag:s20] =	ssyncset.done $0x0  }
0xd8: {  	s15 =	simm.s32 $0x3000;
	[sflag:s20] =	ssyncadd.s32 $0xFFFFC000  }
0xd9: {  	[hbm4b:s3+s10] =	stream.indirect.scatter [tilespmem:s12], [sflag:$0x7], $0x80, s15, s10, $0xb8;
	[tilespmem:$0x17500] =	vst v63  }
0xda: {  	_ =	swait.ge [sflag:s21], $0x4000  }
0xdb: {  	[sflag:s21] =	ssyncset.done $0x0  }
0xdc: {  	[sflag:s21] =	ssyncadd.s32 $0xFFFFC000  }
0xdd: {  	_ =	swait.ge [sflag:s22], $0x4000  }
0xde: {  	[sflag:s22] =	ssyncset.done $0x0  }
0xdf: {  	s17 =	simm.s32 $0x3080;
	[sflag:s22] =	ssyncadd.s32 $0xFFFFC000  }
0xe0: {  	[hbm4b:s3+s10] =	stream.indirect.scatter [tilespmem:s14], [sflag:$0x8], $0x80, s17, s10, $0xb8;
	[tilespmem:$0x17500] =	vst v63  }
0xe1: {  	_ =	swait.ge [sflag:s23], $0x4000  }
0xe2: {  	[sflag:s23] =	ssyncset.done $0x0  }
0xe3: {  	[sflag:s23] =	ssyncadd.s32 $0xFFFFC000  }
0xe4: {  	_ =	swait.ge [sflag:s24], $0x4000  }
0xe5: {  	[sflag:s24] =	ssyncset.done $0x0  }
0xe6: {  	s29 =	simm.s32 $0x3100;
	[sflag:s24] =	ssyncadd.s32 $0xFFFFC000  }
0xe7: {  	[hbm4b:s3+s10] =	stream.indirect.scatter [tilespmem:s16], [sflag:$0x9], $0x80, s29, s10, $0xb8;
	[tilespmem:$0x17500] =	vst v63  }
0xe8: {  	_ =	swait.ge [sflag:s25], $0x4000  }
0xe9: {  	[sflag:s25] =	ssyncset.done $0x0  }
0xea: {  	[sflag:s25] =	ssyncadd.s32 $0xFFFFC000  }
0xeb: {  	_ =	swait.ge [sflag:s26], $0x4000  }
0xec: {  	[sflag:s26] =	ssyncset.done $0x0  }
0xed: {  	s30 =	simm.s32 $0x3180;
	[sflag:s26] =	ssyncadd.s32 $0xFFFFC000  }
0xee: {  	[hbm4b:s3+s10] =	stream.indirect.scatter [tilespmem:s18], [sflag:$0xA], $0x80, s30, s10, $0xb8;
	[tilespmem:$0x17500] =	vst v63  }
0xef: {  	_ =	swait.ge [sflag:s28], $0x4000  }
0xf0: {  	s13 =	sadd.s32 $0x1, s13;
	s31 =	rddreg [dreg:$0x5]  }
0xf1: {  	p0 =	sne.s32 s13, s31  }
.Ltmp2:
0xf2: {  	_ = 	snop;
	(pc) =	sbr.rel @p0 .LBB2_1-.Ltmp2, $3  }
0xf3: {  	_ =	sdelay $0x1  }
0xf4: {  	[sflag:s28] =	ssyncset.done $0x0  }
0xf5: {  	[sflag:s28] =	ssyncadd.s32 $0xFFFFC000  }
0xf6: {  	_ =	sfence.sel $0x180000  }
0xf7: {  	[bflag:$0x0] =	sbarrier.arrive $0xFFFF  }
0xf8: {  	_ =	strace $0x90000047  }
0xf9: {  	s0 =	stileid.u32;
	[bflag:$0x2] =	sbarrier.arrive $0xFFFF  }
0xfa: {  	p0 =	sne.s32 s0, $0x0;
	s0 =	rddreg [dreg:$0x3]  }
0xfb: {  	s0 =	sadd.s32 @!p0 $0x100000, s0  }
0xfc: {  	[sflag:s0] =	ssyncadd.tile.s32 @!p0 $0x1;
	_ =	shalt  }
.Lfunc_end2:
_tile_overlayer_lowered:
.L_overlay_start_2:
0xfd: {  	(tag) =	ssettag $0x2  }
0xfe: {  	s0 =	rddreg [dreg:$0x0];
	s2 =	stileid.u32  }
0xff: {  	s1 =	rddreg [dreg:$0x1];
	p0 =	sne.s32 s2, $0x0  }
0x100: {  	s3 =	rddreg [dreg:$0x2];
	[bflag:$0x3] =	sbarrier.arrive $0xFFFF;
	s2 =	simm.s32 @!p0 $0x1C0B  }
0x101: {  	[timem:s3], [sflag:s2] =	dma.local @!p0 [hbm:s0], s1  }
0x102: {  	s0 =	simm.s32 @!p0 $0xB  }
0x103: {  	_ =	swait.ge @!p0 [sflag:s0], s1  }
0x104: {  	s1 =	ssub.s32 @!p0 $0x0, s1;
	[sflag:s0] =	ssyncset.done @!p0 $0x0  }
0x105: {  	[sflag:s0] =	ssyncadd.s32 @!p0 s1  }
0x106: {  	[bflag:$0x3] =	sbarrier.arrive $0xFFFF  }
0x107: {  	_ =	shalt  }

</sc_bundles>
